<compile_context>
chip_gen: v7x
topology: tpu7x:2x2x1
jax: 0.10.2.dev20260603
libtpu: 0.0.44.dev20260713+nightly
codegen_flags: <defaults>
</compile_context>

<pallas_src>
import jax
import jax.numpy as jnp
from jax import lax
from jax.experimental import pallas as pl
from jax.experimental.pallas import tpu as pltpu
from jax.experimental.pallas import tpu_sc as plsc

N = 10000
E = 320000
IN_CH = 128
HID = 128
OUT_CH = 64

NC = 2
NS = 16
NW = NC * NS
EPW = E // NW
CH = 80
NCHUNK = EPW // CH
NPAD = 10240
RPT = NPAD // NS

_MESH = plsc.VectorSubcoreMesh(core_axis_name="c", subcore_axis_name="s")
_SC_PARAMS = pltpu.CompilerParams(use_tc_tiling_on_sc=False)



def _deg_body(col_hbm, ones_hbm, zeros_hbm, out_hbm, col_v, ones_v, hist_s):
    cid = lax.axis_index("c")
    sid = lax.axis_index("s")
    wid = cid * NS + sid
    pltpu.sync_copy(zeros_hbm.at[pl.ds(sid * RPT, RPT)],
                    hist_s.at[pl.ds(sid * RPT, RPT)])
    pltpu.sync_copy(col_hbm.at[wid], col_v)
    pltpu.sync_copy(ones_hbm, ones_v)
    plsc.subcore_barrier()

    @pl.loop(0, NCHUNK)
    def _(j):
        pltpu.sync_copy(ones_v, hist_s.at[col_v.at[j]], add=True)

    plsc.subcore_barrier()
    pltpu.sync_copy(hist_s.at[pl.ds(sid * RPT, RPT)],
                    out_hbm.at[cid, pl.ds(sid * RPT, RPT)])


def _prop_body(g_hbm, row_hbm, col_hbm, zeros_hbm, out_hbm,
               row_v, col_v, rows_v, acc_s):
    cid = lax.axis_index("c")
    sid = lax.axis_index("s")
    wid = cid * NS + sid
    pltpu.sync_copy(zeros_hbm.at[pl.ds(sid * RPT, RPT)],
                    acc_s.at[pl.ds(sid * RPT, RPT)])
    pltpu.sync_copy(row_hbm.at[wid], row_v)
    pltpu.sync_copy(col_hbm.at[wid], col_v)
    plsc.subcore_barrier()

    @pl.loop(0, NCHUNK)
    def _(j):
        pltpu.sync_copy(g_hbm.at[row_v.at[j]], rows_v)
        pltpu.sync_copy(rows_v, acc_s.at[col_v.at[j]], add=True)

    plsc.subcore_barrier()
    pltpu.sync_copy(acc_s.at[pl.ds(sid * RPT, RPT)],
                    out_hbm.at[cid, pl.ds(sid * RPT, RPT)])


def _deg_call(col, ones, zeros):
    k = pl.kernel(
        _deg_body,
        out_type=jax.ShapeDtypeStruct((NC, NPAD, 16), jnp.float32),
        mesh=_MESH,
        scratch_types=[
            pltpu.VMEM((NCHUNK, CH), jnp.int32),
            pltpu.VMEM((CH, 16), jnp.float32),
            pltpu.VMEM_SHARED((NPAD, 16), jnp.float32),
        ],
        compiler_params=_SC_PARAMS,
    )
    return k(col, ones, zeros)


def _prop_call(g, row, col, zeros, f):
    k = pl.kernel(
        _prop_body,
        out_type=jax.ShapeDtypeStruct((NC, NPAD, f), jnp.float32),
        mesh=_MESH,
        scratch_types=[
            pltpu.VMEM((NCHUNK, CH), jnp.int32),
            pltpu.VMEM((NCHUNK, CH), jnp.int32),
            pltpu.VMEM((CH, f), jnp.float32),
            pltpu.VMEM_SHARED((NPAD, f), jnp.float32),
        ],
        compiler_params=_SC_PARAMS,
    )
    return k(g, row, col, zeros)



_BLK = 1000


def _dinv_from(degp_ref):
    deg = 1.0 + degp_ref[0, :, 0:1] + degp_ref[1, :, 0:1]
    return lax.rsqrt(deg)


def _tc_a_body(x_ref, w_ref, degp_ref, g_ref):
    h = jnp.dot(x_ref[...], w_ref[...], preferred_element_type=jnp.float32,
                precision=lax.Precision.HIGHEST)
    g_ref[...] = h * _dinv_from(degp_ref)


def _tc_a_call(x, w1, degp):
    return pl.pallas_call(
        _tc_a_body,
        grid=(N // _BLK,),
        in_specs=[
            pl.BlockSpec((_BLK, IN_CH), lambda i: (i, 0)),
            pl.BlockSpec((IN_CH, HID), lambda i: (0, 0)),
            pl.BlockSpec((NC, _BLK, 16), lambda i: (0, i, 0)),
        ],
        out_specs=pl.BlockSpec((_BLK, HID), lambda i: (i, 0)),
        out_shape=jax.ShapeDtypeStruct((N, HID), jnp.float32),
    )(x, w1, degp)


def _tc_b_body(p_ref, g1_ref, degp_ref, b1_ref, w2_ref, g2_ref):
    dinv = _dinv_from(degp_ref)
    s = p_ref[0] + p_ref[1] + g1_ref[...]
    t = jnp.tanh(dinv * s + b1_ref[...])
    h2 = jnp.dot(t, w2_ref[...], preferred_element_type=jnp.float32,
                 precision=lax.Precision.HIGHEST)
    g2_ref[...] = h2 * dinv


def _tc_b_call(p1, g1, degp, b1, w2):
    return pl.pallas_call(
        _tc_b_body,
        grid=(N // _BLK,),
        in_specs=[
            pl.BlockSpec((NC, _BLK, HID), lambda i: (0, i, 0)),
            pl.BlockSpec((_BLK, HID), lambda i: (i, 0)),
            pl.BlockSpec((NC, _BLK, 16), lambda i: (0, i, 0)),
            pl.BlockSpec((1, HID), lambda i: (0, 0)),
            pl.BlockSpec((HID, OUT_CH), lambda i: (0, 0)),
        ],
        out_specs=pl.BlockSpec((_BLK, OUT_CH), lambda i: (i, 0)),
        out_shape=jax.ShapeDtypeStruct((N, OUT_CH), jnp.float32),
    )(p1, g1, degp, b1, w2)


def _tc_c_body(q_ref, g2_ref, degp_ref, b2_ref, o_ref):
    dinv = _dinv_from(degp_ref)
    o_ref[...] = dinv * (q_ref[0] + q_ref[1] + g2_ref[...]) + b2_ref[...]


def _tc_c_call(p2, g2, degp, b2):
    return pl.pallas_call(
        _tc_c_body,
        grid=(N // _BLK,),
        in_specs=[
            pl.BlockSpec((NC, _BLK, OUT_CH), lambda i: (0, i, 0)),
            pl.BlockSpec((_BLK, OUT_CH), lambda i: (i, 0)),
            pl.BlockSpec((NC, _BLK, 16), lambda i: (0, i, 0)),
            pl.BlockSpec((1, OUT_CH), lambda i: (0, 0)),
        ],
        out_specs=pl.BlockSpec((_BLK, OUT_CH), lambda i: (i, 0)),
        out_shape=jax.ShapeDtypeStruct((N, OUT_CH), jnp.float32),
    )(p2, g2, degp, b2)



def kernel(x, edge_index, W1, b1, W2, b2):
    row = edge_index[0].reshape(NW, NCHUNK, CH)
    col = edge_index[1].reshape(NW, NCHUNK, CH)
    ones16 = jnp.ones((CH, 16), jnp.float32)
    zeros16 = jnp.zeros((NPAD, 16), jnp.float32)
    zeros_hid = jnp.zeros((NPAD, HID), jnp.float32)
    zeros_out = jnp.zeros((NPAD, OUT_CH), jnp.float32)

    degp = _deg_call(col, ones16, zeros16)
    g1 = _tc_a_call(x, W1, degp)
    p1 = _prop_call(g1, row, col, zeros_hid, HID)
    g2 = _tc_b_call(p1, g1, degp, b1.reshape(1, HID), W2)
    p2 = _prop_call(g2, row, col, zeros_out, OUT_CH)
    return _tc_c_call(p2, g2, degp, b2.reshape(1, OUT_CH))

# --- scband reference (transcript-rebuilt; emitter-appended) ---
"""Pipeline reference for scband-gcndecoder-66125316489524 (READ-ONLY COPY).

The authoritative reference and input builder live on the scoring server;
editing this copy changes nothing except your own understanding.
"""

import jax, jax.numpy as jnp
import numpy as np

N = 10000
E = 320000
IN_CH = 128
OUT_CH = 64
HID = 2 * OUT_CH  # 128


def gcn_conv(x, edge_index, W, b):
    # Faithful PyG GCNConv: linear transform, add self-loops, symmetric norm, scatter-add, bias.
    n = x.shape[0]
    loop = jnp.arange(n, dtype=edge_index.dtype)
    row = jnp.concatenate([edge_index[0], loop])  # source nodes
    col = jnp.concatenate([edge_index[1], loop])  # target nodes (aggregation)
    deg = jax.ops.segment_sum(jnp.ones(row.shape[0], dtype=x.dtype), col, num_segments=n)
    deg_inv_sqrt = jnp.where(deg > 0, 1.0 / jnp.sqrt(deg), 0.0)
    norm = deg_inv_sqrt[row] * deg_inv_sqrt[col]
    h = x @ W
    msg = h[row] * norm[:, None]
    out = jax.ops.segment_sum(msg, col, num_segments=n)
    return out + b


def setup_inputs(seed: int = 0) -> dict:
    key = jax.random.key(seed)
    k1, k2, k3, k4 = jax.random.split(key, 4)
    x = jax.random.normal(k1, (N, IN_CH), dtype=jnp.float32)
    edge_index = jax.random.randint(k2, (2, E), 0, N, dtype=jnp.int32)
    W1 = jax.random.normal(k3, (IN_CH, HID), dtype=jnp.float32) * (1.0 / np.sqrt(IN_CH))
    b1 = jnp.zeros((HID,), dtype=jnp.float32)
    W2 = jax.random.normal(k4, (HID, OUT_CH), dtype=jnp.float32) * (1.0 / np.sqrt(HID))
    b2 = jnp.zeros((OUT_CH,), dtype=jnp.float32)
    return {"x": x, "edge_index": edge_index, "W1": W1, "b1": b1, "W2": W2, "b2": b2}


def reference(x, edge_index, W1, b1, W2, b2):
    h = jnp.tanh(gcn_conv(x, edge_index, W1, b1))
    return gcn_conv(h, edge_index, W2, b2)

if __name__ == "__main__":
    import jax
    _d = setup_inputs()
    print(jax.jit(kernel)(*tuple(_d.values())))

</pallas_src>

<mosaic_0001>
#map = affine_map<(d0, d1) -> (0, 0)>
#map1 = affine_map<(d0, d1) -> (0, 0, 0)>
module attributes {stable_mosaic.version = 14 : i64} {
  func.func @_prop_body(%arg0: i32, %arg1: i32, %arg2: memref<10000x64xf32, #tpu.memory_space<hbm>>, %arg3: memref<32x125x80xi32, #tpu.memory_space<hbm>>, %arg4: memref<32x125x80xi32, #tpu.memory_space<hbm>>, %arg5: memref<10240x64xf32, #tpu.memory_space<hbm>>, %arg6: memref<2x10240x64xf32, #tpu.memory_space<hbm>>, %arg7: memref<125x80xi32, #tpu.memory_space<vmem>>, %arg8: memref<125x80xi32, #tpu.memory_space<vmem>>, %arg9: memref<80x64xf32, #tpu.memory_space<vmem>>, %arg10: memref<10240x64xf32, #tpu.memory_space<vmem_shared>>) attributes {dimension_semantics = [#tpu.dimension_semantics<core_parallel>, #tpu.dimension_semantics<subcore_parallel>], iteration_bounds = array<i64: 2, 16>, scalar_prefetch = 0 : i64, scratch_operands = 4 : i64, tpu.core_type = #tpu.core_type<sc_vector_subcore>, window_params = [{transform_indices = #map}, {transform_indices = #map1}, {transform_indices = #map1}, {transform_indices = #map}, {transform_indices = #map1}]} {
    %mul3A = arith.constant 16 : i32
    %mul3A_0 = arith.muli %arg0, %mul3A : i32
    %add3A = arith.addi %mul3A_0, %arg1 : i32
    %mul3A_1 = arith.constant 640 : i32
    %mul3A_2 = arith.muli %arg1, %mul3A_1 : i32
    %mul3A_3 = arith.constant 640 : i32
    %mul3A_4 = arith.muli %arg1, %mul3A_3 : i32
    "tpu.region"() ({
      %run_scoped3A = tpu.sem_alloc : memref<!tpu.dma_semaphore, #tpu.memory_space<semaphore_mem>>
      %dma_start3A = arith.constant 0 : i32
      %dma_start3A_14 = tpu.memref_slice %arg10[%mul3A_4, %dma_start3A] : memref<10240x64xf32, #tpu.memory_space<vmem_shared>> -> memref<640x64xf32, #tpu.memory_space<vmem_shared>>
      %dma_start3A_15 = arith.constant 0 : i32
      %dma_start3A_16 = tpu.memref_slice %arg5[%mul3A_2, %dma_start3A_15] : memref<10240x64xf32, #tpu.memory_space<hbm>> -> memref<640x64xf32, #tpu.memory_space<hbm>>
      tpu.enqueue_dma source(%dma_start3A_16 : memref<640x64xf32, #tpu.memory_space<hbm>>) target(%dma_start3A_14 : memref<640x64xf32, #tpu.memory_space<vmem_shared>>) target_semaphore(%run_scoped3A : memref<!tpu.dma_semaphore, #tpu.memory_space<semaphore_mem>>)
      %dma_wait3A = arith.constant 0 : i32
      %dma_wait3A_17 = tpu.memref_slice %arg10[%mul3A_4, %dma_wait3A] : memref<10240x64xf32, #tpu.memory_space<vmem_shared>> -> memref<640x64xf32, #tpu.memory_space<vmem_shared>>
      %dma_wait3A_18 = arith.constant 0 : i32
      %dma_wait3A_19 = tpu.memref_slice %arg5[%mul3A_2, %dma_wait3A_18] : memref<10240x64xf32, #tpu.memory_space<hbm>> -> memref<640x64xf32, #tpu.memory_space<hbm>>
      tpu.wait_dma2 semaphore(%run_scoped3A : memref<!tpu.dma_semaphore, #tpu.memory_space<semaphore_mem>>) src(%dma_wait3A_19 : memref<640x64xf32, #tpu.memory_space<hbm>>) dst(%dma_wait3A_17 : memref<640x64xf32, #tpu.memory_space<vmem_shared>>)
      tpu.yield
    }) : () -> ()
    "tpu.region"() ({
      %run_scoped3A = tpu.sem_alloc : memref<!tpu.dma_semaphore, #tpu.memory_space<semaphore_mem>>
      %dma_start3A = arith.constant 0 : i32
      %dma_start3A_14 = arith.constant 0 : i32
      %dma_start3A_15 = tpu.memref_slice %arg3[%add3A, %dma_start3A, %dma_start3A_14] : memref<32x125x80xi32, #tpu.memory_space<hbm>> -> memref<1x125x80xi32, #tpu.memory_space<hbm>>
      %dma_start3A_16 = tpu.memref_squeeze %dma_start3A_15 : memref<1x125x80xi32, #tpu.memory_space<hbm>> -> memref<125x80xi32, #tpu.memory_space<hbm>>
      %dma_start3A_17 = arith.constant 0 : i32
      %dma_start3A_18 = arith.constant 0 : i32
      %dma_start3A_19 = tpu.memref_slice %arg3[%add3A, %dma_start3A_17, %dma_start3A_18] : memref<32x125x80xi32, #tpu.memory_space<hbm>> -> memref<1x125x80xi32, #tpu.memory_space<hbm>>
      %dma_start3A_20 = tpu.memref_squeeze %dma_start3A_19 : memref<1x125x80xi32, #tpu.memory_space<hbm>> -> memref<125x80xi32, #tpu.memory_space<hbm>>
      tpu.enqueue_dma source(%dma_start3A_20 : memref<125x80xi32, #tpu.memory_space<hbm>>) target(%arg7 : memref<125x80xi32, #tpu.memory_space<vmem>>) target_semaphore(%run_scoped3A : memref<!tpu.dma_semaphore, #tpu.memory_space<semaphore_mem>>)
      %dma_wait3A = arith.constant 0 : i32
      %dma_wait3A_21 = arith.constant 0 : i32
      %dma_wait3A_22 = tpu.memref_slice %arg3[%add3A, %dma_wait3A, %dma_wait3A_21] : memref<32x125x80xi32, #tpu.memory_space<hbm>> -> memref<1x125x80xi32, #tpu.memory_space<hbm>>
      %dma_wait3A_23 = tpu.memref_squeeze %dma_wait3A_22 : memref<1x125x80xi32, #tpu.memory_space<hbm>> -> memref<125x80xi32, #tpu.memory_space<hbm>>
      %dma_wait3A_24 = arith.constant 0 : i32
      %dma_wait3A_25 = arith.constant 0 : i32
      %dma_wait3A_26 = tpu.memref_slice %arg3[%add3A, %dma_wait3A_24, %dma_wait3A_25] : memref<32x125x80xi32, #tpu.memory_space<hbm>> -> memref<1x125x80xi32, #tpu.memory_space<hbm>>
      %dma_wait3A_27 = tpu.memref_squeeze %dma_wait3A_26 : memref<1x125x80xi32, #tpu.memory_space<hbm>> -> memref<125x80xi32, #tpu.memory_space<hbm>>
      tpu.wait_dma2 semaphore(%run_scoped3A : memref<!tpu.dma_semaphore, #tpu.memory_space<semaphore_mem>>) src(%dma_wait3A_27 : memref<125x80xi32, #tpu.memory_space<hbm>>) dst(%arg7 : memref<125x80xi32, #tpu.memory_space<vmem>>)
      tpu.yield
    }) : () -> ()
    "tpu.region"() ({
      %run_scoped3A = tpu.sem_alloc : memref<!tpu.dma_semaphore, #tpu.memory_space<semaphore_mem>>
      %dma_start3A = arith.constant 0 : i32
      %dma_start3A_14 = arith.constant 0 : i32
      %dma_start3A_15 = tpu.memref_slice %arg4[%add3A, %dma_start3A, %dma_start3A_14] : memref<32x125x80xi32, #tpu.memory_space<hbm>> -> memref<1x125x80xi32, #tpu.memory_space<hbm>>
      %dma_start3A_16 = tpu.memref_squeeze %dma_start3A_15 : memref<1x125x80xi32, #tpu.memory_space<hbm>> -> memref<125x80xi32, #tpu.memory_space<hbm>>
      %dma_start3A_17 = arith.constant 0 : i32
      %dma_start3A_18 = arith.constant 0 : i32
      %dma_start3A_19 = tpu.memref_slice %arg4[%add3A, %dma_start3A_17, %dma_start3A_18] : memref<32x125x80xi32, #tpu.memory_space<hbm>> -> memref<1x125x80xi32, #tpu.memory_space<hbm>>
      %dma_start3A_20 = tpu.memref_squeeze %dma_start3A_19 : memref<1x125x80xi32, #tpu.memory_space<hbm>> -> memref<125x80xi32, #tpu.memory_space<hbm>>
      tpu.enqueue_dma source(%dma_start3A_20 : memref<125x80xi32, #tpu.memory_space<hbm>>) target(%arg8 : memref<125x80xi32, #tpu.memory_space<vmem>>) target_semaphore(%run_scoped3A : memref<!tpu.dma_semaphore, #tpu.memory_space<semaphore_mem>>)
      %dma_wait3A = arith.constant 0 : i32
      %dma_wait3A_21 = arith.constant 0 : i32
      %dma_wait3A_22 = tpu.memref_slice %arg4[%add3A, %dma_wait3A, %dma_wait3A_21] : memref<32x125x80xi32, #tpu.memory_space<hbm>> -> memref<1x125x80xi32, #tpu.memory_space<hbm>>
      %dma_wait3A_23 = tpu.memref_squeeze %dma_wait3A_22 : memref<1x125x80xi32, #tpu.memory_space<hbm>> -> memref<125x80xi32, #tpu.memory_space<hbm>>
      %dma_wait3A_24 = arith.constant 0 : i32
      %dma_wait3A_25 = arith.constant 0 : i32
      %dma_wait3A_26 = tpu.memref_slice %arg4[%add3A, %dma_wait3A_24, %dma_wait3A_25] : memref<32x125x80xi32, #tpu.memory_space<hbm>> -> memref<1x125x80xi32, #tpu.memory_space<hbm>>
      %dma_wait3A_27 = tpu.memref_squeeze %dma_wait3A_26 : memref<1x125x80xi32, #tpu.memory_space<hbm>> -> memref<125x80xi32, #tpu.memory_space<hbm>>
      tpu.wait_dma2 semaphore(%run_scoped3A : memref<!tpu.dma_semaphore, #tpu.memory_space<semaphore_mem>>) src(%dma_wait3A_27 : memref<125x80xi32, #tpu.memory_space<hbm>>) dst(%arg8 : memref<125x80xi32, #tpu.memory_space<vmem>>)
      tpu.yield
    }) : () -> ()
    %barrier3A = arith.constant 0 : index
    tpu.barrier barrier_id(%barrier3A)
    %scan3A = arith.constant 0 : i32
    %scan3A_5 = arith.constant 125 : i32
    %scan3A_6 = arith.addi %scan3A, %scan3A_5 : i32
    %scan3A_7 = arith.constant 1 : i32
    scf.for %scan3A_14 = %scan3A to %scan3A_6 step %scan3A_7  : i32 {
      %mul3A_15 = arith.constant 1 : i32
      %mul3A_16 = arith.muli %scan3A_14, %mul3A_15 : i32
      %add3A_17 = arith.constant 0 : i32
      %add3A_18 = arith.addi %add3A_17, %mul3A_16 : i32
      "tpu.region"() ({
        %run_scoped3A = tpu.sem_alloc : memref<!tpu.dma_semaphore, #tpu.memory_space<semaphore_mem>>
        %dma_start3A = arith.constant 0 : i32
        %dma_start3A_19 = tpu.memref_slice %arg7[%add3A_18, %dma_start3A] : memref<125x80xi32, #tpu.memory_space<vmem>> -> memref<1x80xi32, #tpu.memory_space<vmem>>
        %dma_start3A_20 = tpu.memref_squeeze %dma_start3A_19 : memref<1x80xi32, #tpu.memory_space<vmem>> -> memref<80xi32, #tpu.memory_space<vmem>>
        %dma_start3A_21 = arith.constant 0 : i32
        %dma_start3A_22 = arith.constant 0 : i32
        %dma_start3A_23 = tpu.memref_slice %arg2[%dma_start3A_21, %dma_start3A_22] : memref<10000x64xf32, #tpu.memory_space<hbm>> -> memref<10000x64xf32, #tpu.memory_space<hbm>>
        tpu.enqueue_indirect_dma source(%dma_start3A_23 : memref<10000x64xf32, #tpu.memory_space<hbm>>) target(%arg9 : memref<80x64xf32, #tpu.memory_space<vmem>>) offsets(%dma_start3A_20 : memref<80xi32, #tpu.memory_space<vmem>>) semaphore(%run_scoped3A : memref<!tpu.dma_semaphore, #tpu.memory_space<semaphore_mem>>)
        %dma_wait3A = arith.constant 0 : i32
        %dma_wait3A_24 = tpu.memref_slice %arg7[%add3A_18, %dma_wait3A] : memref<125x80xi32, #tpu.memory_space<vmem>> -> memref<1x80xi32, #tpu.memory_space<vmem>>
        %dma_wait3A_25 = tpu.memref_squeeze %dma_wait3A_24 : memref<1x80xi32, #tpu.memory_space<vmem>> -> memref<80xi32, #tpu.memory_space<vmem>>
        %dma_wait3A_26 = arith.constant 0 : i32
        %dma_wait3A_27 = arith.constant 0 : i32
        %dma_wait3A_28 = tpu.memref_slice %arg2[%dma_wait3A_26, %dma_wait3A_27] : memref<10000x64xf32, #tpu.memory_space<hbm>> -> memref<10000x64xf32, #tpu.memory_space<hbm>>
        tpu.wait_indirect_dma semaphore(%run_scoped3A : memref<!tpu.dma_semaphore, #tpu.memory_space<semaphore_mem>>) src(%dma_wait3A_28 : memref<10000x64xf32, #tpu.memory_space<hbm>>) dst(%arg9 : memref<80x64xf32, #tpu.memory_space<vmem>>)
        tpu.yield
      }) : () -> ()
      "tpu.region"() ({
        %run_scoped3A = tpu.sem_alloc : memref<!tpu.dma_semaphore, #tpu.memory_space<semaphore_mem>>
        %dma_start3A = arith.constant 0 : i32
        %dma_start3A_19 = tpu.memref_slice %arg8[%add3A_18, %dma_start3A] : memref<125x80xi32, #tpu.memory_space<vmem>> -> memref<1x80xi32, #tpu.memory_space<vmem>>
        %dma_start3A_20 = tpu.memref_squeeze %dma_start3A_19 : memref<1x80xi32, #tpu.memory_space<vmem>> -> memref<80xi32, #tpu.memory_space<vmem>>
        %dma_start3A_21 = arith.constant 0 : i32
        %dma_start3A_22 = arith.constant 0 : i32
        %dma_start3A_23 = tpu.memref_slice %arg10[%dma_start3A_21, %dma_start3A_22] : memref<10240x64xf32, #tpu.memory_space<vmem_shared>> -> memref<10240x64xf32, #tpu.memory_space<vmem_shared>>
        tpu.enqueue_indirect_dma source(%arg9 : memref<80x64xf32, #tpu.memory_space<vmem>>) target(%dma_start3A_23 : memref<10240x64xf32, #tpu.memory_space<vmem_shared>>) offsets(%dma_start3A_20 : memref<80xi32, #tpu.memory_space<vmem>>) semaphore(%run_scoped3A : memref<!tpu.dma_semaphore, #tpu.memory_space<semaphore_mem>>) {add = true}
        %dma_wait3A = arith.constant 0 : i32
        %dma_wait3A_24 = tpu.memref_slice %arg8[%add3A_18, %dma_wait3A] : memref<125x80xi32, #tpu.memory_space<vmem>> -> memref<1x80xi32, #tpu.memory_space<vmem>>
        %dma_wait3A_25 = tpu.memref_squeeze %dma_wait3A_24 : memref<1x80xi32, #tpu.memory_space<vmem>> -> memref<80xi32, #tpu.memory_space<vmem>>
        %dma_wait3A_26 = arith.constant 0 : i32
        %dma_wait3A_27 = arith.constant 0 : i32
        %dma_wait3A_28 = tpu.memref_slice %arg10[%dma_wait3A_26, %dma_wait3A_27] : memref<10240x64xf32, #tpu.memory_space<vmem_shared>> -> memref<10240x64xf32, #tpu.memory_space<vmem_shared>>
        tpu.wait_indirect_dma semaphore(%run_scoped3A : memref<!tpu.dma_semaphore, #tpu.memory_space<semaphore_mem>>) src(%arg9 : memref<80x64xf32, #tpu.memory_space<vmem>>) dst(%dma_wait3A_28 : memref<10240x64xf32, #tpu.memory_space<vmem_shared>>)
        tpu.yield
      }) : () -> ()
    }
    %scan3A_8 = arith.constant 125 : i32
    %barrier3A_9 = arith.constant 0 : index
    tpu.barrier barrier_id(%barrier3A_9)
    %mul3A_10 = arith.constant 640 : i32
    %mul3A_11 = arith.muli %arg1, %mul3A_10 : i32
    %mul3A_12 = arith.constant 640 : i32
    %mul3A_13 = arith.muli %arg1, %mul3A_12 : i32
    "tpu.region"() ({
      %run_scoped3A = tpu.sem_alloc : memref<!tpu.dma_semaphore, #tpu.memory_space<semaphore_mem>>
      %dma_start3A = arith.constant 0 : i32
      %dma_start3A_14 = tpu.memref_slice %arg6[%arg0, %mul3A_13, %dma_start3A] : memref<2x10240x64xf32, #tpu.memory_space<hbm>> -> memref<1x640x64xf32, #tpu.memory_space<hbm>>
      %dma_start3A_15 = tpu.memref_squeeze %dma_start3A_14 : memref<1x640x64xf32, #tpu.memory_space<hbm>> -> memref<640x64xf32, #tpu.memory_space<hbm>>
      %dma_start3A_16 = arith.constant 0 : i32
      %dma_start3A_17 = tpu.memref_slice %arg10[%mul3A_11, %dma_start3A_16] : memref<10240x64xf32, #tpu.memory_space<vmem_shared>> -> memref<640x64xf32, #tpu.memory_space<vmem_shared>>
      tpu.enqueue_dma source(%dma_start3A_17 : memref<640x64xf32, #tpu.memory_space<vmem_shared>>) target(%dma_start3A_15 : memref<640x64xf32, #tpu.memory_space<hbm>>) target_semaphore(%run_scoped3A : memref<!tpu.dma_semaphore, #tpu.memory_space<semaphore_mem>>)
      %dma_wait3A = arith.constant 0 : i32
      %dma_wait3A_18 = tpu.memref_slice %arg6[%arg0, %mul3A_13, %dma_wait3A] : memref<2x10240x64xf32, #tpu.memory_space<hbm>> -> memref<1x640x64xf32, #tpu.memory_space<hbm>>
      %dma_wait3A_19 = tpu.memref_squeeze %dma_wait3A_18 : memref<1x640x64xf32, #tpu.memory_space<hbm>> -> memref<640x64xf32, #tpu.memory_space<hbm>>
      %dma_wait3A_20 = arith.constant 0 : i32
      %dma_wait3A_21 = tpu.memref_slice %arg10[%mul3A_11, %dma_wait3A_20] : memref<10240x64xf32, #tpu.memory_space<vmem_shared>> -> memref<640x64xf32, #tpu.memory_space<vmem_shared>>
      tpu.wait_dma2 semaphore(%run_scoped3A : memref<!tpu.dma_semaphore, #tpu.memory_space<semaphore_mem>>) src(%dma_wait3A_21 : memref<640x64xf32, #tpu.memory_space<vmem_shared>>) dst(%dma_wait3A_19 : memref<640x64xf32, #tpu.memory_space<hbm>>)
      tpu.yield
    }) : () -> ()
    return
  }
}

#map = affine_map<(d0, d1) -> (0, 0)>
#map1 = affine_map<(d0, d1) -> (0, 0, 0)>
module attributes {stable_mosaic.version = 14 : i64} {
  func.func @_prop_body(%arg0: i32, %arg1: i32, %arg2: memref<10000x128xf32, #tpu.memory_space<hbm>>, %arg3: memref<32x125x80xi32, #tpu.memory_space<hbm>>, %arg4: memref<32x125x80xi32, #tpu.memory_space<hbm>>, %arg5: memref<10240x128xf32, #tpu.memory_space<hbm>>, %arg6: memref<2x10240x128xf32, #tpu.memory_space<hbm>>, %arg7: memref<125x80xi32, #tpu.memory_space<vmem>>, %arg8: memref<125x80xi32, #tpu.memory_space<vmem>>, %arg9: memref<80x128xf32, #tpu.memory_space<vmem>>, %arg10: memref<10240x128xf32, #tpu.memory_space<vmem_shared>>) attributes {dimension_semantics = [#tpu.dimension_semantics<core_parallel>, #tpu.dimension_semantics<subcore_parallel>], iteration_bounds = array<i64: 2, 16>, scalar_prefetch = 0 : i64, scratch_operands = 4 : i64, tpu.core_type = #tpu.core_type<sc_vector_subcore>, window_params = [{transform_indices = #map}, {transform_indices = #map1}, {transform_indices = #map1}, {transform_indices = #map}, {transform_indices = #map1}]} {
    %mul3A = arith.constant 16 : i32
    %mul3A_0 = arith.muli %arg0, %mul3A : i32
    %add3A = arith.addi %mul3A_0, %arg1 : i32
    %mul3A_1 = arith.constant 640 : i32
    %mul3A_2 = arith.muli %arg1, %mul3A_1 : i32
    %mul3A_3 = arith.constant 640 : i32
    %mul3A_4 = arith.muli %arg1, %mul3A_3 : i32
    "tpu.region"() ({
      %run_scoped3A = tpu.sem_alloc : memref<!tpu.dma_semaphore, #tpu.memory_space<semaphore_mem>>
      %dma_start3A = arith.constant 0 : i32
      %dma_start3A_14 = tpu.memref_slice %arg10[%mul3A_4, %dma_start3A] : memref<10240x128xf32, #tpu.memory_space<vmem_shared>> -> memref<640x128xf32, #tpu.memory_space<vmem_shared>>
      %dma_start3A_15 = arith.constant 0 : i32
      %dma_start3A_16 = tpu.memref_slice %arg5[%mul3A_2, %dma_start3A_15] : memref<10240x128xf32, #tpu.memory_space<hbm>> -> memref<640x128xf32, #tpu.memory_space<hbm>>
      tpu.enqueue_dma source(%dma_start3A_16 : memref<640x128xf32, #tpu.memory_space<hbm>>) target(%dma_start3A_14 : memref<640x128xf32, #tpu.memory_space<vmem_shared>>) target_semaphore(%run_scoped3A : memref<!tpu.dma_semaphore, #tpu.memory_space<semaphore_mem>>)
      %dma_wait3A = arith.constant 0 : i32
      %dma_wait3A_17 = tpu.memref_slice %arg10[%mul3A_4, %dma_wait3A] : memref<10240x128xf32, #tpu.memory_space<vmem_shared>> -> memref<640x128xf32, #tpu.memory_space<vmem_shared>>
      %dma_wait3A_18 = arith.constant 0 : i32
      %dma_wait3A_19 = tpu.memref_slice %arg5[%mul3A_2, %dma_wait3A_18] : memref<10240x128xf32, #tpu.memory_space<hbm>> -> memref<640x128xf32, #tpu.memory_space<hbm>>
      tpu.wait_dma2 semaphore(%run_scoped3A : memref<!tpu.dma_semaphore, #tpu.memory_space<semaphore_mem>>) src(%dma_wait3A_19 : memref<640x128xf32, #tpu.memory_space<hbm>>) dst(%dma_wait3A_17 : memref<640x128xf32, #tpu.memory_space<vmem_shared>>)
      tpu.yield
    }) : () -> ()
    "tpu.region"() ({
      %run_scoped3A = tpu.sem_alloc : memref<!tpu.dma_semaphore, #tpu.memory_space<semaphore_mem>>
      %dma_start3A = arith.constant 0 : i32
      %dma_start3A_14 = arith.constant 0 : i32
      %dma_start3A_15 = tpu.memref_slice %arg3[%add3A, %dma_start3A, %dma_start3A_14] : memref<32x125x80xi32, #tpu.memory_space<hbm>> -> memref<1x125x80xi32, #tpu.memory_space<hbm>>
      %dma_start3A_16 = tpu.memref_squeeze %dma_start3A_15 : memref<1x125x80xi32, #tpu.memory_space<hbm>> -> memref<125x80xi32, #tpu.memory_space<hbm>>
      %dma_start3A_17 = arith.constant 0 : i32
      %dma_start3A_18 = arith.constant 0 : i32
      %dma_start3A_19 = tpu.memref_slice %arg3[%add3A, %dma_start3A_17, %dma_start3A_18] : memref<32x125x80xi32, #tpu.memory_space<hbm>> -> memref<1x125x80xi32, #tpu.memory_space<hbm>>
      %dma_start3A_20 = tpu.memref_squeeze %dma_start3A_19 : memref<1x125x80xi32, #tpu.memory_space<hbm>> -> memref<125x80xi32, #tpu.memory_space<hbm>>
      tpu.enqueue_dma source(%dma_start3A_20 : memref<125x80xi32, #tpu.memory_space<hbm>>) target(%arg7 : memref<125x80xi32, #tpu.memory_space<vmem>>) target_semaphore(%run_scoped3A : memref<!tpu.dma_semaphore, #tpu.memory_space<semaphore_mem>>)
      %dma_wait3A = arith.constant 0 : i32
      %dma_wait3A_21 = arith.constant 0 : i32
      %dma_wait3A_22 = tpu.memref_slice %arg3[%add3A, %dma_wait3A, %dma_wait3A_21] : memref<32x125x80xi32, #tpu.memory_space<hbm>> -> memref<1x125x80xi32, #tpu.memory_space<hbm>>
      %dma_wait3A_23 = tpu.memref_squeeze %dma_wait3A_22 : memref<1x125x80xi32, #tpu.memory_space<hbm>> -> memref<125x80xi32, #tpu.memory_space<hbm>>
      %dma_wait3A_24 = arith.constant 0 : i32
      %dma_wait3A_25 = arith.constant 0 : i32
      %dma_wait3A_26 = tpu.memref_slice %arg3[%add3A, %dma_wait3A_24, %dma_wait3A_25] : memref<32x125x80xi32, #tpu.memory_space<hbm>> -> memref<1x125x80xi32, #tpu.memory_space<hbm>>
      %dma_wait3A_27 = tpu.memref_squeeze %dma_wait3A_26 : memref<1x125x80xi32, #tpu.memory_space<hbm>> -> memref<125x80xi32, #tpu.memory_space<hbm>>
      tpu.wait_dma2 semaphore(%run_scoped3A : memref<!tpu.dma_semaphore, #tpu.memory_space<semaphore_mem>>) src(%dma_wait3A_27 : memref<125x80xi32, #tpu.memory_space<hbm>>) dst(%arg7 : memref<125x80xi32, #tpu.memory_space<vmem>>)
      tpu.yield
    }) : () -> ()
    "tpu.region"() ({
      %run_scoped3A = tpu.sem_alloc : memref<!tpu.dma_semaphore, #tpu.memory_space<semaphore_mem>>
      %dma_start3A = arith.constant 0 : i32
      %dma_start3A_14 = arith.constant 0 : i32
      %dma_start3A_15 = tpu.memref_slice %arg4[%add3A, %dma_start3A, %dma_start3A_14] : memref<32x125x80xi32, #tpu.memory_space<hbm>> -> memref<1x125x80xi32, #tpu.memory_space<hbm>>
      %dma_start3A_16 = tpu.memref_squeeze %dma_start3A_15 : memref<1x125x80xi32, #tpu.memory_space<hbm>> -> memref<125x80xi32, #tpu.memory_space<hbm>>
      %dma_start3A_17 = arith.constant 0 : i32
      %dma_start3A_18 = arith.constant 0 : i32
      %dma_start3A_19 = tpu.memref_slice %arg4[%add3A, %dma_start3A_17, %dma_start3A_18] : memref<32x125x80xi32, #tpu.memory_space<hbm>> -> memref<1x125x80xi32, #tpu.memory_space<hbm>>
      %dma_start3A_20 = tpu.memref_squeeze %dma_start3A_19 : memref<1x125x80xi32, #tpu.memory_space<hbm>> -> memref<125x80xi32, #tpu.memory_space<hbm>>
      tpu.enqueue_dma source(%dma_start3A_20 : memref<125x80xi32, #tpu.memory_space<hbm>>) target(%arg8 : memref<125x80xi32, #tpu.memory_space<vmem>>) target_semaphore(%run_scoped3A : memref<!tpu.dma_semaphore, #tpu.memory_space<semaphore_mem>>)
      %dma_wait3A = arith.constant 0 : i32
      %dma_wait3A_21 = arith.constant 0 : i32
      %dma_wait3A_22 = tpu.memref_slice %arg4[%add3A, %dma_wait3A, %dma_wait3A_21] : memref<32x125x80xi32, #tpu.memory_space<hbm>> -> memref<1x125x80xi32, #tpu.memory_space<hbm>>
      %dma_wait3A_23 = tpu.memref_squeeze %dma_wait3A_22 : memref<1x125x80xi32, #tpu.memory_space<hbm>> -> memref<125x80xi32, #tpu.memory_space<hbm>>
      %dma_wait3A_24 = arith.constant 0 : i32
      %dma_wait3A_25 = arith.constant 0 : i32
      %dma_wait3A_26 = tpu.memref_slice %arg4[%add3A, %dma_wait3A_24, %dma_wait3A_25] : memref<32x125x80xi32, #tpu.memory_space<hbm>> -> memref<1x125x80xi32, #tpu.memory_space<hbm>>
      %dma_wait3A_27 = tpu.memref_squeeze %dma_wait3A_26 : memref<1x125x80xi32, #tpu.memory_space<hbm>> -> memref<125x80xi32, #tpu.memory_space<hbm>>
      tpu.wait_dma2 semaphore(%run_scoped3A : memref<!tpu.dma_semaphore, #tpu.memory_space<semaphore_mem>>) src(%dma_wait3A_27 : memref<125x80xi32, #tpu.memory_space<hbm>>) dst(%arg8 : memref<125x80xi32, #tpu.memory_space<vmem>>)
      tpu.yield
    }) : () -> ()
    %barrier3A = arith.constant 0 : index
    tpu.barrier barrier_id(%barrier3A)
    %scan3A = arith.constant 0 : i32
    %scan3A_5 = arith.constant 125 : i32
    %scan3A_6 = arith.addi %scan3A, %scan3A_5 : i32
    %scan3A_7 = arith.constant 1 : i32
    scf.for %scan3A_14 = %scan3A to %scan3A_6 step %scan3A_7  : i32 {
      %mul3A_15 = arith.constant 1 : i32
      %mul3A_16 = arith.muli %scan3A_14, %mul3A_15 : i32
      %add3A_17 = arith.constant 0 : i32
      %add3A_18 = arith.addi %add3A_17, %mul3A_16 : i32
      "tpu.region"() ({
        %run_scoped3A = tpu.sem_alloc : memref<!tpu.dma_semaphore, #tpu.memory_space<semaphore_mem>>
        %dma_start3A = arith.constant 0 : i32
        %dma_start3A_19 = tpu.memref_slice %arg7[%add3A_18, %dma_start3A] : memref<125x80xi32, #tpu.memory_space<vmem>> -> memref<1x80xi32, #tpu.memory_space<vmem>>
        %dma_start3A_20 = tpu.memref_squeeze %dma_start3A_19 : memref<1x80xi32, #tpu.memory_space<vmem>> -> memref<80xi32, #tpu.memory_space<vmem>>
        %dma_start3A_21 = arith.constant 0 : i32
        %dma_start3A_22 = arith.constant 0 : i32
        %dma_start3A_23 = tpu.memref_slice %arg2[%dma_start3A_21, %dma_start3A_22] : memref<10000x128xf32, #tpu.memory_space<hbm>> -> memref<10000x128xf32, #tpu.memory_space<hbm>>
        tpu.enqueue_indirect_dma source(%dma_start3A_23 : memref<10000x128xf32, #tpu.memory_space<hbm>>) target(%arg9 : memref<80x128xf32, #tpu.memory_space<vmem>>) offsets(%dma_start3A_20 : memref<80xi32, #tpu.memory_space<vmem>>) semaphore(%run_scoped3A : memref<!tpu.dma_semaphore, #tpu.memory_space<semaphore_mem>>)
        %dma_wait3A = arith.constant 0 : i32
        %dma_wait3A_24 = tpu.memref_slice %arg7[%add3A_18, %dma_wait3A] : memref<125x80xi32, #tpu.memory_space<vmem>> -> memref<1x80xi32, #tpu.memory_space<vmem>>
        %dma_wait3A_25 = tpu.memref_squeeze %dma_wait3A_24 : memref<1x80xi32, #tpu.memory_space<vmem>> -> memref<80xi32, #tpu.memory_space<vmem>>
        %dma_wait3A_26 = arith.constant 0 : i32
        %dma_wait3A_27 = arith.constant 0 : i32
        %dma_wait3A_28 = tpu.memref_slice %arg2[%dma_wait3A_26, %dma_wait3A_27] : memref<10000x128xf32, #tpu.memory_space<hbm>> -> memref<10000x128xf32, #tpu.memory_space<hbm>>
        tpu.wait_indirect_dma semaphore(%run_scoped3A : memref<!tpu.dma_semaphore, #tpu.memory_space<semaphore_mem>>) src(%dma_wait3A_28 : memref<10000x128xf32, #tpu.memory_space<hbm>>) dst(%arg9 : memref<80x128xf32, #tpu.memory_space<vmem>>)
        tpu.yield
      }) : () -> ()
      "tpu.region"() ({
        %run_scoped3A = tpu.sem_alloc : memref<!tpu.dma_semaphore, #tpu.memory_space<semaphore_mem>>
        %dma_start3A = arith.constant 0 : i32
        %dma_start3A_19 = tpu.memref_slice %arg8[%add3A_18, %dma_start3A] : memref<125x80xi32, #tpu.memory_space<vmem>> -> memref<1x80xi32, #tpu.memory_space<vmem>>
        %dma_start3A_20 = tpu.memref_squeeze %dma_start3A_19 : memref<1x80xi32, #tpu.memory_space<vmem>> -> memref<80xi32, #tpu.memory_space<vmem>>
        %dma_start3A_21 = arith.constant 0 : i32
        %dma_start3A_22 = arith.constant 0 : i32
        %dma_start3A_23 = tpu.memref_slice %arg10[%dma_start3A_21, %dma_start3A_22] : memref<10240x128xf32, #tpu.memory_space<vmem_shared>> -> memref<10240x128xf32, #tpu.memory_space<vmem_shared>>
        tpu.enqueue_indirect_dma source(%arg9 : memref<80x128xf32, #tpu.memory_space<vmem>>) target(%dma_start3A_23 : memref<10240x128xf32, #tpu.memory_space<vmem_shared>>) offsets(%dma_start3A_20 : memref<80xi32, #tpu.memory_space<vmem>>) semaphore(%run_scoped3A : memref<!tpu.dma_semaphore, #tpu.memory_space<semaphore_mem>>) {add = true}
        %dma_wait3A = arith.constant 0 : i32
        %dma_wait3A_24 = tpu.memref_slice %arg8[%add3A_18, %dma_wait3A] : memref<125x80xi32, #tpu.memory_space<vmem>> -> memref<1x80xi32, #tpu.memory_space<vmem>>
        %dma_wait3A_25 = tpu.memref_squeeze %dma_wait3A_24 : memref<1x80xi32, #tpu.memory_space<vmem>> -> memref<80xi32, #tpu.memory_space<vmem>>
        %dma_wait3A_26 = arith.constant 0 : i32
        %dma_wait3A_27 = arith.constant 0 : i32
        %dma_wait3A_28 = tpu.memref_slice %arg10[%dma_wait3A_26, %dma_wait3A_27] : memref<10240x128xf32, #tpu.memory_space<vmem_shared>> -> memref<10240x128xf32, #tpu.memory_space<vmem_shared>>
        tpu.wait_indirect_dma semaphore(%run_scoped3A : memref<!tpu.dma_semaphore, #tpu.memory_space<semaphore_mem>>) src(%arg9 : memref<80x128xf32, #tpu.memory_space<vmem>>) dst(%dma_wait3A_28 : memref<10240x128xf32, #tpu.memory_space<vmem_shared>>)
        tpu.yield
      }) : () -> ()
    }
    %scan3A_8 = arith.constant 125 : i32
    %barrier3A_9 = arith.constant 0 : index
    tpu.barrier barrier_id(%barrier3A_9)
    %mul3A_10 = arith.constant 640 : i32
    %mul3A_11 = arith.muli %arg1, %mul3A_10 : i32
    %mul3A_12 = arith.constant 640 : i32
    %mul3A_13 = arith.muli %arg1, %mul3A_12 : i32
    "tpu.region"() ({
      %run_scoped3A = tpu.sem_alloc : memref<!tpu.dma_semaphore, #tpu.memory_space<semaphore_mem>>
      %dma_start3A = arith.constant 0 : i32
      %dma_start3A_14 = tpu.memref_slice %arg6[%arg0, %mul3A_13, %dma_start3A] : memref<2x10240x128xf32, #tpu.memory_space<hbm>> -> memref<1x640x128xf32, #tpu.memory_space<hbm>>
      %dma_start3A_15 = tpu.memref_squeeze %dma_start3A_14 : memref<1x640x128xf32, #tpu.memory_space<hbm>> -> memref<640x128xf32, #tpu.memory_space<hbm>>
      %dma_start3A_16 = arith.constant 0 : i32
      %dma_start3A_17 = tpu.memref_slice %arg10[%mul3A_11, %dma_start3A_16] : memref<10240x128xf32, #tpu.memory_space<vmem_shared>> -> memref<640x128xf32, #tpu.memory_space<vmem_shared>>
      tpu.enqueue_dma source(%dma_start3A_17 : memref<640x128xf32, #tpu.memory_space<vmem_shared>>) target(%dma_start3A_15 : memref<640x128xf32, #tpu.memory_space<hbm>>) target_semaphore(%run_scoped3A : memref<!tpu.dma_semaphore, #tpu.memory_space<semaphore_mem>>)
      %dma_wait3A = arith.constant 0 : i32
      %dma_wait3A_18 = tpu.memref_slice %arg6[%arg0, %mul3A_13, %dma_wait3A] : memref<2x10240x128xf32, #tpu.memory_space<hbm>> -> memref<1x640x128xf32, #tpu.memory_space<hbm>>
      %dma_wait3A_19 = tpu.memref_squeeze %dma_wait3A_18 : memref<1x640x128xf32, #tpu.memory_space<hbm>> -> memref<640x128xf32, #tpu.memory_space<hbm>>
      %dma_wait3A_20 = arith.constant 0 : i32
      %dma_wait3A_21 = tpu.memref_slice %arg10[%mul3A_11, %dma_wait3A_20] : memref<10240x128xf32, #tpu.memory_space<vmem_shared>> -> memref<640x128xf32, #tpu.memory_space<vmem_shared>>
      tpu.wait_dma2 semaphore(%run_scoped3A : memref<!tpu.dma_semaphore, #tpu.memory_space<semaphore_mem>>) src(%dma_wait3A_21 : memref<640x128xf32, #tpu.memory_space<vmem_shared>>) dst(%dma_wait3A_19 : memref<640x128xf32, #tpu.memory_space<hbm>>)
      tpu.yield
    }) : () -> ()
    return
  }
}

#map = affine_map<(d0, d1) -> (0, 0, 0)>
#map1 = affine_map<(d0, d1) -> (0, 0)>
module attributes {stable_mosaic.version = 14 : i64} {
  func.func @_deg_body(%arg0: i32, %arg1: i32, %arg2: memref<32x125x80xi32, #tpu.memory_space<hbm>>, %arg3: memref<80x16xf32, #tpu.memory_space<hbm>>, %arg4: memref<10240x16xf32, #tpu.memory_space<hbm>>, %arg5: memref<2x10240x16xf32, #tpu.memory_space<hbm>>, %arg6: memref<125x80xi32, #tpu.memory_space<vmem>>, %arg7: memref<80x16xf32, #tpu.memory_space<vmem>>, %arg8: memref<10240x16xf32, #tpu.memory_space<vmem_shared>>) attributes {dimension_semantics = [#tpu.dimension_semantics<core_parallel>, #tpu.dimension_semantics<subcore_parallel>], iteration_bounds = array<i64: 2, 16>, scalar_prefetch = 0 : i64, scratch_operands = 3 : i64, tpu.core_type = #tpu.core_type<sc_vector_subcore>, window_params = [{transform_indices = #map}, {transform_indices = #map1}, {transform_indices = #map1}, {transform_indices = #map}]} {
    %mul3A = arith.constant 16 : i32
    %mul3A_0 = arith.muli %arg0, %mul3A : i32
    %add3A = arith.addi %mul3A_0, %arg1 : i32
    %mul3A_1 = arith.constant 640 : i32
    %mul3A_2 = arith.muli %arg1, %mul3A_1 : i32
    %mul3A_3 = arith.constant 640 : i32
    %mul3A_4 = arith.muli %arg1, %mul3A_3 : i32
    "tpu.region"() ({
      %run_scoped3A = tpu.sem_alloc : memref<!tpu.dma_semaphore, #tpu.memory_space<semaphore_mem>>
      %dma_start3A = arith.constant 0 : i32
      %dma_start3A_14 = tpu.memref_slice %arg8[%mul3A_4, %dma_start3A] : memref<10240x16xf32, #tpu.memory_space<vmem_shared>> -> memref<640x16xf32, #tpu.memory_space<vmem_shared>>
      %dma_start3A_15 = arith.constant 0 : i32
      %dma_start3A_16 = tpu.memref_slice %arg4[%mul3A_2, %dma_start3A_15] : memref<10240x16xf32, #tpu.memory_space<hbm>> -> memref<640x16xf32, #tpu.memory_space<hbm>>
      tpu.enqueue_dma source(%dma_start3A_16 : memref<640x16xf32, #tpu.memory_space<hbm>>) target(%dma_start3A_14 : memref<640x16xf32, #tpu.memory_space<vmem_shared>>) target_semaphore(%run_scoped3A : memref<!tpu.dma_semaphore, #tpu.memory_space<semaphore_mem>>)
      %dma_wait3A = arith.constant 0 : i32
      %dma_wait3A_17 = tpu.memref_slice %arg8[%mul3A_4, %dma_wait3A] : memref<10240x16xf32, #tpu.memory_space<vmem_shared>> -> memref<640x16xf32, #tpu.memory_space<vmem_shared>>
      %dma_wait3A_18 = arith.constant 0 : i32
      %dma_wait3A_19 = tpu.memref_slice %arg4[%mul3A_2, %dma_wait3A_18] : memref<10240x16xf32, #tpu.memory_space<hbm>> -> memref<640x16xf32, #tpu.memory_space<hbm>>
      tpu.wait_dma2 semaphore(%run_scoped3A : memref<!tpu.dma_semaphore, #tpu.memory_space<semaphore_mem>>) src(%dma_wait3A_19 : memref<640x16xf32, #tpu.memory_space<hbm>>) dst(%dma_wait3A_17 : memref<640x16xf32, #tpu.memory_space<vmem_shared>>)
      tpu.yield
    }) : () -> ()
    "tpu.region"() ({
      %run_scoped3A = tpu.sem_alloc : memref<!tpu.dma_semaphore, #tpu.memory_space<semaphore_mem>>
      %dma_start3A = arith.constant 0 : i32
      %dma_start3A_14 = arith.constant 0 : i32
      %dma_start3A_15 = tpu.memref_slice %arg2[%add3A, %dma_start3A, %dma_start3A_14] : memref<32x125x80xi32, #tpu.memory_space<hbm>> -> memref<1x125x80xi32, #tpu.memory_space<hbm>>
      %dma_start3A_16 = tpu.memref_squeeze %dma_start3A_15 : memref<1x125x80xi32, #tpu.memory_space<hbm>> -> memref<125x80xi32, #tpu.memory_space<hbm>>
      %dma_start3A_17 = arith.constant 0 : i32
      %dma_start3A_18 = arith.constant 0 : i32
      %dma_start3A_19 = tpu.memref_slice %arg2[%add3A, %dma_start3A_17, %dma_start3A_18] : memref<32x125x80xi32, #tpu.memory_space<hbm>> -> memref<1x125x80xi32, #tpu.memory_space<hbm>>
      %dma_start3A_20 = tpu.memref_squeeze %dma_start3A_19 : memref<1x125x80xi32, #tpu.memory_space<hbm>> -> memref<125x80xi32, #tpu.memory_space<hbm>>
      tpu.enqueue_dma source(%dma_start3A_20 : memref<125x80xi32, #tpu.memory_space<hbm>>) target(%arg6 : memref<125x80xi32, #tpu.memory_space<vmem>>) target_semaphore(%run_scoped3A : memref<!tpu.dma_semaphore, #tpu.memory_space<semaphore_mem>>)
      %dma_wait3A = arith.constant 0 : i32
      %dma_wait3A_21 = arith.constant 0 : i32
      %dma_wait3A_22 = tpu.memref_slice %arg2[%add3A, %dma_wait3A, %dma_wait3A_21] : memref<32x125x80xi32, #tpu.memory_space<hbm>> -> memref<1x125x80xi32, #tpu.memory_space<hbm>>
      %dma_wait3A_23 = tpu.memref_squeeze %dma_wait3A_22 : memref<1x125x80xi32, #tpu.memory_space<hbm>> -> memref<125x80xi32, #tpu.memory_space<hbm>>
      %dma_wait3A_24 = arith.constant 0 : i32
      %dma_wait3A_25 = arith.constant 0 : i32
      %dma_wait3A_26 = tpu.memref_slice %arg2[%add3A, %dma_wait3A_24, %dma_wait3A_25] : memref<32x125x80xi32, #tpu.memory_space<hbm>> -> memref<1x125x80xi32, #tpu.memory_space<hbm>>
      %dma_wait3A_27 = tpu.memref_squeeze %dma_wait3A_26 : memref<1x125x80xi32, #tpu.memory_space<hbm>> -> memref<125x80xi32, #tpu.memory_space<hbm>>
      tpu.wait_dma2 semaphore(%run_scoped3A : memref<!tpu.dma_semaphore, #tpu.memory_space<semaphore_mem>>) src(%dma_wait3A_27 : memref<125x80xi32, #tpu.memory_space<hbm>>) dst(%arg6 : memref<125x80xi32, #tpu.memory_space<vmem>>)
      tpu.yield
    }) : () -> ()
    "tpu.region"() ({
      %run_scoped3A = tpu.sem_alloc : memref<!tpu.dma_semaphore, #tpu.memory_space<semaphore_mem>>
      tpu.enqueue_dma source(%arg3 : memref<80x16xf32, #tpu.memory_space<hbm>>) target(%arg7 : memref<80x16xf32, #tpu.memory_space<vmem>>) target_semaphore(%run_scoped3A : memref<!tpu.dma_semaphore, #tpu.memory_space<semaphore_mem>>)
      tpu.wait_dma2 semaphore(%run_scoped3A : memref<!tpu.dma_semaphore, #tpu.memory_space<semaphore_mem>>) src(%arg3 : memref<80x16xf32, #tpu.memory_space<hbm>>) dst(%arg7 : memref<80x16xf32, #tpu.memory_space<vmem>>)
      tpu.yield
    }) : () -> ()
    %barrier3A = arith.constant 0 : index
    tpu.barrier barrier_id(%barrier3A)
    %scan3A = arith.constant 0 : i32
    %scan3A_5 = arith.constant 125 : i32
    %scan3A_6 = arith.addi %scan3A, %scan3A_5 : i32
    %scan3A_7 = arith.constant 1 : i32
    scf.for %scan3A_14 = %scan3A to %scan3A_6 step %scan3A_7  : i32 {
      %mul3A_15 = arith.constant 1 : i32
      %mul3A_16 = arith.muli %scan3A_14, %mul3A_15 : i32
      %add3A_17 = arith.constant 0 : i32
      %add3A_18 = arith.addi %add3A_17, %mul3A_16 : i32
      "tpu.region"() ({
        %run_scoped3A = tpu.sem_alloc : memref<!tpu.dma_semaphore, #tpu.memory_space<semaphore_mem>>
        %dma_start3A = arith.constant 0 : i32
        %dma_start3A_19 = tpu.memref_slice %arg6[%add3A_18, %dma_start3A] : memref<125x80xi32, #tpu.memory_space<vmem>> -> memref<1x80xi32, #tpu.memory_space<vmem>>
        %dma_start3A_20 = tpu.memref_squeeze %dma_start3A_19 : memref<1x80xi32, #tpu.memory_space<vmem>> -> memref<80xi32, #tpu.memory_space<vmem>>
        %dma_start3A_21 = arith.constant 0 : i32
        %dma_start3A_22 = arith.constant 0 : i32
        %dma_start3A_23 = tpu.memref_slice %arg8[%dma_start3A_21, %dma_start3A_22] : memref<10240x16xf32, #tpu.memory_space<vmem_shared>> -> memref<10240x16xf32, #tpu.memory_space<vmem_shared>>
        tpu.enqueue_indirect_dma source(%arg7 : memref<80x16xf32, #tpu.memory_space<vmem>>) target(%dma_start3A_23 : memref<10240x16xf32, #tpu.memory_space<vmem_shared>>) offsets(%dma_start3A_20 : memref<80xi32, #tpu.memory_space<vmem>>) semaphore(%run_scoped3A : memref<!tpu.dma_semaphore, #tpu.memory_space<semaphore_mem>>) {add = true}
        %dma_wait3A = arith.constant 0 : i32
        %dma_wait3A_24 = tpu.memref_slice %arg6[%add3A_18, %dma_wait3A] : memref<125x80xi32, #tpu.memory_space<vmem>> -> memref<1x80xi32, #tpu.memory_space<vmem>>
        %dma_wait3A_25 = tpu.memref_squeeze %dma_wait3A_24 : memref<1x80xi32, #tpu.memory_space<vmem>> -> memref<80xi32, #tpu.memory_space<vmem>>
        %dma_wait3A_26 = arith.constant 0 : i32
        %dma_wait3A_27 = arith.constant 0 : i32
        %dma_wait3A_28 = tpu.memref_slice %arg8[%dma_wait3A_26, %dma_wait3A_27] : memref<10240x16xf32, #tpu.memory_space<vmem_shared>> -> memref<10240x16xf32, #tpu.memory_space<vmem_shared>>
        tpu.wait_indirect_dma semaphore(%run_scoped3A : memref<!tpu.dma_semaphore, #tpu.memory_space<semaphore_mem>>) src(%arg7 : memref<80x16xf32, #tpu.memory_space<vmem>>) dst(%dma_wait3A_28 : memref<10240x16xf32, #tpu.memory_space<vmem_shared>>)
        tpu.yield
      }) : () -> ()
    }
    %scan3A_8 = arith.constant 125 : i32
    %barrier3A_9 = arith.constant 0 : index
    tpu.barrier barrier_id(%barrier3A_9)
    %mul3A_10 = arith.constant 640 : i32
    %mul3A_11 = arith.muli %arg1, %mul3A_10 : i32
    %mul3A_12 = arith.constant 640 : i32
    %mul3A_13 = arith.muli %arg1, %mul3A_12 : i32
    "tpu.region"() ({
      %run_scoped3A = tpu.sem_alloc : memref<!tpu.dma_semaphore, #tpu.memory_space<semaphore_mem>>
      %dma_start3A = arith.constant 0 : i32
      %dma_start3A_14 = tpu.memref_slice %arg5[%arg0, %mul3A_13, %dma_start3A] : memref<2x10240x16xf32, #tpu.memory_space<hbm>> -> memref<1x640x16xf32, #tpu.memory_space<hbm>>
      %dma_start3A_15 = tpu.memref_squeeze %dma_start3A_14 : memref<1x640x16xf32, #tpu.memory_space<hbm>> -> memref<640x16xf32, #tpu.memory_space<hbm>>
      %dma_start3A_16 = arith.constant 0 : i32
      %dma_start3A_17 = tpu.memref_slice %arg8[%mul3A_11, %dma_start3A_16] : memref<10240x16xf32, #tpu.memory_space<vmem_shared>> -> memref<640x16xf32, #tpu.memory_space<vmem_shared>>
      tpu.enqueue_dma source(%dma_start3A_17 : memref<640x16xf32, #tpu.memory_space<vmem_shared>>) target(%dma_start3A_15 : memref<640x16xf32, #tpu.memory_space<hbm>>) target_semaphore(%run_scoped3A : memref<!tpu.dma_semaphore, #tpu.memory_space<semaphore_mem>>)
      %dma_wait3A = arith.constant 0 : i32
      %dma_wait3A_18 = tpu.memref_slice %arg5[%arg0, %mul3A_13, %dma_wait3A] : memref<2x10240x16xf32, #tpu.memory_space<hbm>> -> memref<1x640x16xf32, #tpu.memory_space<hbm>>
      %dma_wait3A_19 = tpu.memref_squeeze %dma_wait3A_18 : memref<1x640x16xf32, #tpu.memory_space<hbm>> -> memref<640x16xf32, #tpu.memory_space<hbm>>
      %dma_wait3A_20 = arith.constant 0 : i32
      %dma_wait3A_21 = tpu.memref_slice %arg8[%mul3A_11, %dma_wait3A_20] : memref<10240x16xf32, #tpu.memory_space<vmem_shared>> -> memref<640x16xf32, #tpu.memory_space<vmem_shared>>
      tpu.wait_dma2 semaphore(%run_scoped3A : memref<!tpu.dma_semaphore, #tpu.memory_space<semaphore_mem>>) src(%dma_wait3A_21 : memref<640x16xf32, #tpu.memory_space<vmem_shared>>) dst(%dma_wait3A_19 : memref<640x16xf32, #tpu.memory_space<hbm>>)
      tpu.yield
    }) : () -> ()
    return
  }
}

module attributes {stable_mosaic.version = 14 : i64} {
  func.func @_tc_a_body(%arg0: i32, %arg1: memref<1000x128xf32, #tpu.memory_space<vmem>>, %arg2: memref<128x128xf32, #tpu.memory_space<vmem>>, %arg3: memref<2x1000x16xf32, #tpu.memory_space<vmem>>, %arg4: memref<1000x128xf32, #tpu.memory_space<vmem>>) attributes {dimension_semantics = [#tpu.dimension_semantics<arbitrary>], iteration_bounds = array<i64: 10>, scalar_prefetch = 0 : i64, scratch_operands = 0 : i64, tpu.core_type = #tpu.core_type<tc>, window_params = [{transform_indices = @transform_0, window_bounds = array<i64: 1000, 128>}, {pipeline_mode = #tpu.pipeline_mode<synchronous>, transform_indices = @transform_1, window_bounds = array<i64: 128, 128>}, {transform_indices = @transform_2, window_bounds = array<i64: 2, 1000, 16>}, {transform_indices = @transform_3, window_bounds = array<i64: 1000, 128>}]} {
    %get3A = arith.constant 0 : index
    %get3A_0 = arith.constant 0 : index
    %get3A_1 = vector.load %arg1[%get3A, %get3A_0] : memref<1000x128xf32, #tpu.memory_space<vmem>>, vector<1000x128xf32>
    %get3A_2 = arith.constant 0 : index
    %get3A_3 = arith.constant 0 : index
    %get3A_4 = vector.load %arg2[%get3A_2, %get3A_3] : memref<128x128xf32, #tpu.memory_space<vmem>>, vector<128x128xf32>
    %dot_general3A = arith.constant dense<0.000000e+00> : vector<1000x128xf32>
    %dot_general3A_5 = tpu.matmul %get3A_1, %get3A_4, %dot_general3A {dimension_numbers = #tpu.dot_dimension_numbers<[1], [0], [0], [1], [0, 0, 1, 1], [], []>, precision = #tpu.contract_precision<fp32>, transpose_lhs_hint = false} : vector<1000x128xf32>, vector<128x128xf32>, vector<1000x128xf32> -> vector<1000x128xf32>
    %get3A_6 = arith.constant 0 : index
    %get3A_7 = arith.constant 0 : index
    %get3A_8 = arith.constant 0 : index
    %get3A_9 = vector.load %arg3[%get3A_6, %get3A_7, %get3A_8] : memref<2x1000x16xf32, #tpu.memory_space<vmem>>, vector<1x1000x1xf32>
    %get3A_10 = vector.shape_cast %get3A_9 : vector<1x1000x1xf32> to vector<1000x1xf32>
    %add3A = arith.constant 1.000000e+00 : f32
    %add3A_11 = vector.broadcast %add3A : f32 to vector<1000x1xf32>
    %add3A_12 = arith.addf %add3A_11, %get3A_10 : vector<1000x1xf32>
    %get3A_13 = arith.constant 1 : index
    %get3A_14 = arith.constant 0 : index
    %get3A_15 = arith.constant 0 : index
    %get3A_16 = vector.load %arg3[%get3A_13, %get3A_14, %get3A_15] : memref<2x1000x16xf32, #tpu.memory_space<vmem>>, vector<1x1000x1xf32>
    %get3A_17 = vector.shape_cast %get3A_16 : vector<1x1000x1xf32> to vector<1000x1xf32>
    %add3A_18 = arith.addf %add3A_12, %get3A_17 : vector<1000x1xf32>
    %rsqrt3A = math.rsqrt %add3A_18 : vector<1000x1xf32>
    %mul3A = vector.broadcast %rsqrt3A : vector<1000x1xf32> to vector<1000x128xf32>
    %mul3A_19 = arith.mulf %dot_general3A_5, %mul3A : vector<1000x128xf32>
    %swap3A = arith.constant 0 : index
    %swap3A_20 = arith.constant 0 : index
    %swap3A_21 = vector.load %arg4[%swap3A, %swap3A_20] : memref<1000x128xf32, #tpu.memory_space<vmem>>, vector<1000x128xf32>
    tpu.vector_store %arg4[%swap3A, %swap3A_20], %mul3A_19 {strides = array<i32>} : memref<1000x128xf32, #tpu.memory_space<vmem>>, vector<1000x128xf32>,
    return
  }
  func.func @transform_0(%arg0: i32) -> (i32, i32) {
    %c0_i32 = arith.constant 0 : i32
    %c0_i32_0 = arith.constant 0 : i32
    return %arg0, %c0_i32 : i32, i32
  }
  func.func @transform_1(%arg0: i32) -> (i32, i32) {
    %c0_i32 = arith.constant 0 : i32
    %c0_i32_0 = arith.constant 0 : i32
    %c0_i32_1 = arith.constant 0 : i32
    return %c0_i32, %c0_i32_0 : i32, i32
  }
  func.func @transform_2(%arg0: i32) -> (i32, i32, i32) {
    %c0_i32 = arith.constant 0 : i32
    %c0_i32_0 = arith.constant 0 : i32
    %c0_i32_1 = arith.constant 0 : i32
    return %c0_i32, %arg0, %c0_i32_0 : i32, i32, i32
  }
  func.func @transform_3(%arg0: i32) -> (i32, i32) {
    %c0_i32 = arith.constant 0 : i32
    %c0_i32_0 = arith.constant 0 : i32
    return %arg0, %c0_i32 : i32, i32
  }
}

module attributes {stable_mosaic.version = 14 : i64} {
  func.func @_tc_b_body(%arg0: i32, %arg1: memref<2x1000x128xf32, #tpu.memory_space<vmem>>, %arg2: memref<1000x128xf32, #tpu.memory_space<vmem>>, %arg3: memref<2x1000x16xf32, #tpu.memory_space<vmem>>, %arg4: memref<1x128xf32, #tpu.memory_space<vmem>>, %arg5: memref<128x64xf32, #tpu.memory_space<vmem>>, %arg6: memref<1000x64xf32, #tpu.memory_space<vmem>>) attributes {dimension_semantics = [#tpu.dimension_semantics<arbitrary>], iteration_bounds = array<i64: 10>, scalar_prefetch = 0 : i64, scratch_operands = 0 : i64, tpu.core_type = #tpu.core_type<tc>, window_params = [{transform_indices = @transform_0, window_bounds = array<i64: 2, 1000, 128>}, {transform_indices = @transform_1, window_bounds = array<i64: 1000, 128>}, {transform_indices = @transform_2, window_bounds = array<i64: 2, 1000, 16>}, {pipeline_mode = #tpu.pipeline_mode<synchronous>, transform_indices = @transform_3, window_bounds = array<i64: 1, 128>}, {pipeline_mode = #tpu.pipeline_mode<synchronous>, transform_indices = @transform_4, window_bounds = array<i64: 128, 64>}, {transform_indices = @transform_5, window_bounds = array<i64: 1000, 64>}]} {
    %get3A = arith.constant 0 : index
    %get3A_0 = arith.constant 0 : index
    %get3A_1 = arith.constant 0 : index
    %get3A_2 = vector.load %arg3[%get3A, %get3A_0, %get3A_1] : memref<2x1000x16xf32, #tpu.memory_space<vmem>>, vector<1x1000x1xf32>
    %get3A_3 = vector.shape_cast %get3A_2 : vector<1x1000x1xf32> to vector<1000x1xf32>
    %add3A = arith.constant 1.000000e+00 : f32
    %add3A_4 = vector.broadcast %add3A : f32 to vector<1000x1xf32>
    %add3A_5 = arith.addf %add3A_4, %get3A_3 : vector<1000x1xf32>
    %get3A_6 = arith.constant 1 : index
    %get3A_7 = arith.constant 0 : index
    %get3A_8 = arith.constant 0 : index
    %get3A_9 = vector.load %arg3[%get3A_6, %get3A_7, %get3A_8] : memref<2x1000x16xf32, #tpu.memory_space<vmem>>, vector<1x1000x1xf32>
    %get3A_10 = vector.shape_cast %get3A_9 : vector<1x1000x1xf32> to vector<1000x1xf32>
    %add3A_11 = arith.addf %add3A_5, %get3A_10 : vector<1000x1xf32>
    %rsqrt3A = math.rsqrt %add3A_11 : vector<1000x1xf32>
    %get3A_12 = arith.constant 0 : index
    %get3A_13 = arith.constant 0 : index
    %get3A_14 = arith.constant 0 : index
    %get3A_15 = vector.load %arg1[%get3A_12, %get3A_13, %get3A_14] : memref<2x1000x128xf32, #tpu.memory_space<vmem>>, vector<1x1000x128xf32>
    %get3A_16 = vector.shape_cast %get3A_15 : vector<1x1000x128xf32> to vector<1000x128xf32>
    %get3A_17 = arith.constant 1 : index
    %get3A_18 = arith.constant 0 : index
    %get3A_19 = arith.constant 0 : index
    %get3A_20 = vector.load %arg1[%get3A_17, %get3A_18, %get3A_19] : memref<2x1000x128xf32, #tpu.memory_space<vmem>>, vector<1x1000x128xf32>
    %get3A_21 = vector.shape_cast %get3A_20 : vector<1x1000x128xf32> to vector<1000x128xf32>
    %add3A_22 = arith.addf %get3A_16, %get3A_21 : vector<1000x128xf32>
    %get3A_23 = arith.constant 0 : index
    %get3A_24 = arith.constant 0 : index
    %get3A_25 = vector.load %arg2[%get3A_23, %get3A_24] : memref<1000x128xf32, #tpu.memory_space<vmem>>, vector<1000x128xf32>
    %add3A_26 = arith.addf %add3A_22, %get3A_25 : vector<1000x128xf32>
    %mul3A = vector.broadcast %rsqrt3A : vector<1000x1xf32> to vector<1000x128xf32>
    %mul3A_27 = arith.mulf %mul3A, %add3A_26 : vector<1000x128xf32>
    %get3A_28 = arith.constant 0 : index
    %get3A_29 = arith.constant 0 : index
    %get3A_30 = vector.load %arg4[%get3A_28, %get3A_29] : memref<1x128xf32, #tpu.memory_space<vmem>>, vector<1x128xf32>
    %add3A_31 = vector.broadcast %get3A_30 : vector<1x128xf32> to vector<1000x128xf32>
    %add3A_32 = arith.addf %mul3A_27, %add3A_31 : vector<1000x128xf32>
    %tanh3A = math.tanh %add3A_32 : vector<1000x128xf32>
    %get3A_33 = arith.constant 0 : index
    %get3A_34 = arith.constant 0 : index
    %get3A_35 = vector.load %arg5[%get3A_33, %get3A_34] : memref<128x64xf32, #tpu.memory_space<vmem>>, vector<128x64xf32>
    %dot_general3A = arith.constant dense<0.000000e+00> : vector<1000x64xf32>
    %dot_general3A_36 = tpu.matmul %tanh3A, %get3A_35, %dot_general3A {dimension_numbers = #tpu.dot_dimension_numbers<[1], [0], [0], [1], [0, 0, 1, 1], [], []>, precision = #tpu.contract_precision<fp32>, transpose_lhs_hint = false} : vector<1000x128xf32>, vector<128x64xf32>, vector<1000x64xf32> -> vector<1000x64xf32>
    %mul3A_37 = vector.broadcast %rsqrt3A : vector<1000x1xf32> to vector<1000x64xf32>
    %mul3A_38 = arith.mulf %dot_general3A_36, %mul3A_37 : vector<1000x64xf32>
    %swap3A = arith.constant 0 : index
    %swap3A_39 = arith.constant 0 : index
    %swap3A_40 = vector.load %arg6[%swap3A, %swap3A_39] : memref<1000x64xf32, #tpu.memory_space<vmem>>, vector<1000x64xf32>
    tpu.vector_store %arg6[%swap3A, %swap3A_39], %mul3A_38 {strides = array<i32>} : memref<1000x64xf32, #tpu.memory_space<vmem>>, vector<1000x64xf32>,
    return
  }
  func.func @transform_0(%arg0: i32) -> (i32, i32, i32) {
    %c0_i32 = arith.constant 0 : i32
    %c0_i32_0 = arith.constant 0 : i32
    %c0_i32_1 = arith.constant 0 : i32
    return %c0_i32, %arg0, %c0_i32_0 : i32, i32, i32
  }
  func.func @transform_1(%arg0: i32) -> (i32, i32) {
    %c0_i32 = arith.constant 0 : i32
    %c0_i32_0 = arith.constant 0 : i32
    return %arg0, %c0_i32 : i32, i32
  }
  func.func @transform_2(%arg0: i32) -> (i32, i32, i32) {
    %c0_i32 = arith.constant 0 : i32
    %c0_i32_0 = arith.constant 0 : i32
    %c0_i32_1 = arith.constant 0 : i32
    return %c0_i32, %arg0, %c0_i32_0 : i32, i32, i32
  }
  func.func @transform_3(%arg0: i32) -> (i32, i32) {
    %c0_i32 = arith.constant 0 : i32
    %c0_i32_0 = arith.constant 0 : i32
    %c0_i32_1 = arith.constant 0 : i32
    return %c0_i32, %c0_i32_0 : i32, i32
  }
  func.func @transform_4(%arg0: i32) -> (i32, i32) {
    %c0_i32 = arith.constant 0 : i32
    %c0_i32_0 = arith.constant 0 : i32
    %c0_i32_1 = arith.constant 0 : i32
    return %c0_i32, %c0_i32_0 : i32, i32
  }
  func.func @transform_5(%arg0: i32) -> (i32, i32) {
    %c0_i32 = arith.constant 0 : i32
    %c0_i32_0 = arith.constant 0 : i32
    return %arg0, %c0_i32 : i32, i32
  }
}

module attributes {stable_mosaic.version = 14 : i64} {
  func.func @_tc_c_body(%arg0: i32, %arg1: memref<2x1000x64xf32, #tpu.memory_space<vmem>>, %arg2: memref<1000x64xf32, #tpu.memory_space<vmem>>, %arg3: memref<2x1000x16xf32, #tpu.memory_space<vmem>>, %arg4: memref<1x64xf32, #tpu.memory_space<vmem>>, %arg5: memref<1000x64xf32, #tpu.memory_space<vmem>>) attributes {dimension_semantics = [#tpu.dimension_semantics<arbitrary>], iteration_bounds = array<i64: 10>, scalar_prefetch = 0 : i64, scratch_operands = 0 : i64, tpu.core_type = #tpu.core_type<tc>, window_params = [{transform_indices = @transform_0, window_bounds = array<i64: 2, 1000, 64>}, {transform_indices = @transform_1, window_bounds = array<i64: 1000, 64>}, {transform_indices = @transform_2, window_bounds = array<i64: 2, 1000, 16>}, {pipeline_mode = #tpu.pipeline_mode<synchronous>, transform_indices = @transform_3, window_bounds = array<i64: 1, 64>}, {transform_indices = @transform_4, window_bounds = array<i64: 1000, 64>}]} {
    %get3A = arith.constant 0 : index
    %get3A_0 = arith.constant 0 : index
    %get3A_1 = arith.constant 0 : index
    %get3A_2 = vector.load %arg3[%get3A, %get3A_0, %get3A_1] : memref<2x1000x16xf32, #tpu.memory_space<vmem>>, vector<1x1000x1xf32>
    %get3A_3 = vector.shape_cast %get3A_2 : vector<1x1000x1xf32> to vector<1000x1xf32>
    %add3A = arith.constant 1.000000e+00 : f32
    %add3A_4 = vector.broadcast %add3A : f32 to vector<1000x1xf32>
    %add3A_5 = arith.addf %add3A_4, %get3A_3 : vector<1000x1xf32>
    %get3A_6 = arith.constant 1 : index
    %get3A_7 = arith.constant 0 : index
    %get3A_8 = arith.constant 0 : index
    %get3A_9 = vector.load %arg3[%get3A_6, %get3A_7, %get3A_8] : memref<2x1000x16xf32, #tpu.memory_space<vmem>>, vector<1x1000x1xf32>
    %get3A_10 = vector.shape_cast %get3A_9 : vector<1x1000x1xf32> to vector<1000x1xf32>
    %add3A_11 = arith.addf %add3A_5, %get3A_10 : vector<1000x1xf32>
    %rsqrt3A = math.rsqrt %add3A_11 : vector<1000x1xf32>
    %get3A_12 = arith.constant 0 : index
    %get3A_13 = arith.constant 0 : index
    %get3A_14 = arith.constant 0 : index
    %get3A_15 = vector.load %arg1[%get3A_12, %get3A_13, %get3A_14] : memref<2x1000x64xf32, #tpu.memory_space<vmem>>, vector<1x1000x64xf32>
    %get3A_16 = vector.shape_cast %get3A_15 : vector<1x1000x64xf32> to vector<1000x64xf32>
    %get3A_17 = arith.constant 1 : index
    %get3A_18 = arith.constant 0 : index
    %get3A_19 = arith.constant 0 : index
    %get3A_20 = vector.load %arg1[%get3A_17, %get3A_18, %get3A_19] : memref<2x1000x64xf32, #tpu.memory_space<vmem>>, vector<1x1000x64xf32>
    %get3A_21 = vector.shape_cast %get3A_20 : vector<1x1000x64xf32> to vector<1000x64xf32>
    %add3A_22 = arith.addf %get3A_16, %get3A_21 : vector<1000x64xf32>
    %get3A_23 = arith.constant 0 : index
    %get3A_24 = arith.constant 0 : index
    %get3A_25 = vector.load %arg2[%get3A_23, %get3A_24] : memref<1000x64xf32, #tpu.memory_space<vmem>>, vector<1000x64xf32>
    %add3A_26 = arith.addf %add3A_22, %get3A_25 : vector<1000x64xf32>
    %mul3A = vector.broadcast %rsqrt3A : vector<1000x1xf32> to vector<1000x64xf32>
    %mul3A_27 = arith.mulf %mul3A, %add3A_26 : vector<1000x64xf32>
    %get3A_28 = arith.constant 0 : index
    %get3A_29 = arith.constant 0 : index
    %get3A_30 = vector.load %arg4[%get3A_28, %get3A_29] : memref<1x64xf32, #tpu.memory_space<vmem>>, vector<1x64xf32>
    %add3A_31 = vector.broadcast %get3A_30 : vector<1x64xf32> to vector<1000x64xf32>
    %add3A_32 = arith.addf %mul3A_27, %add3A_31 : vector<1000x64xf32>
    %swap3A = arith.constant 0 : index
    %swap3A_33 = arith.constant 0 : index
    %swap3A_34 = vector.load %arg5[%swap3A, %swap3A_33] : memref<1000x64xf32, #tpu.memory_space<vmem>>, vector<1000x64xf32>
    tpu.vector_store %arg5[%swap3A, %swap3A_33], %add3A_32 {strides = array<i32>} : memref<1000x64xf32, #tpu.memory_space<vmem>>, vector<1000x64xf32>,
    return
  }
  func.func @transform_0(%arg0: i32) -> (i32, i32, i32) {
    %c0_i32 = arith.constant 0 : i32
    %c0_i32_0 = arith.constant 0 : i32
    %c0_i32_1 = arith.constant 0 : i32
    return %c0_i32, %arg0, %c0_i32_0 : i32, i32, i32
  }
  func.func @transform_1(%arg0: i32) -> (i32, i32) {
    %c0_i32 = arith.constant 0 : i32
    %c0_i32_0 = arith.constant 0 : i32
    return %arg0, %c0_i32 : i32, i32
  }
  func.func @transform_2(%arg0: i32) -> (i32, i32, i32) {
    %c0_i32 = arith.constant 0 : i32
    %c0_i32_0 = arith.constant 0 : i32
    %c0_i32_1 = arith.constant 0 : i32
    return %c0_i32, %arg0, %c0_i32_0 : i32, i32, i32
  }
  func.func @transform_3(%arg0: i32) -> (i32, i32) {
    %c0_i32 = arith.constant 0 : i32
    %c0_i32_0 = arith.constant 0 : i32
    %c0_i32_1 = arith.constant 0 : i32
    return %c0_i32, %c0_i32_0 : i32, i32
  }
  func.func @transform_4(%arg0: i32) -> (i32, i32) {
    %c0_i32 = arith.constant 0 : i32
    %c0_i32_0 = arith.constant 0 : i32
    return %arg0, %c0_i32 : i32, i32
  }
}

</mosaic_0001>

<sc_bundles>
// kernel: kernel.11.cloned.1.call-start
scs
__scs_entry_jumppad:
0x0: {  	(pc) =	sbr.rel $0x88, $3  }
0x1: {  	(tag) =	ssettag $0x0;
	lr =	simm.s32 $0x1  }
0x2: {  	[smem:$0x3F9B] =	sst lr;
	_ =	strace $0xD0000000  }
0x3: {  	_ = 	snop  }
0x4: {  	_ = 	snop  }
0x5: {  	_ = 	snop  }
0x6: {  	_ = 	snop  }
0x7: {  	_ = 	snop  }
__scs_overlays_trampoline_lowered:
0x8: {  	[smem:$0x3FAA] =	sst s0  }
0x9: {  	[smem:$0x3FAB] =	sst s1  }
0xa: {  	[smem:$0x3FAC] =	sst s2  }
0xb: {  	[smem:$0x3FAD] =	sst s3  }
0xc: {  	[smem:$0x3FAE] =	sst s4  }
0xd: {  	[smem:$0x3FAF] =	sst s5  }
0xe: {  	[smem:$0x3FB0] =	sst s6  }
0xf: {  	[smem:$0x3FB1] =	sst s7  }
0x10: {  	[smem:$0x3FB2] =	sst s8  }
0x11: {  	[smem:$0x3FB3] =	sst s9;
	s0 =	simm.s32 @!p0 $0x0  }
0x12: {  	s1 =	sld [smem:$0x3F99];
	s0 =	simm.s32 @p0 $0x1  }
0x13: {  	[smem:$0x3FB4] =	sst s0;
	s0 =	simm.s32 @!p1 $0x0  }
0x14: {  	s2 =	sld [smem:$0x3F98];
	s0 =	simm.s32 @p1 $0x1  }
0x15: {  	[smem:$0x3FB5] =	sst s0;
	s0 =	simm.s32 @!p2 $0x0  }
0x16: {  	s3 =	sld [smem:$0x3FDB];
	s0 =	simm.s32 @p2 $0x1  }
0x17: {  	s4 =	simm.s32 $0x1BF5;
	[smem:$0x3FB7] =	sst s0  }
0x18: {  	s0 =	sld [smem:$0x3F9A];
	_ =	swait.ge [sflag:s4], $0x0  }
0x19: {  	s7 =	sld [smem:$0x3F9B]  }
0x1a: {  	s8 =	sadd.s32 $0xFFFFE003, lr  }
0x1b: {  	s9 =	sadd.s32 $0xFFFFFEF7, lr;
	s5 =	simm.s32 $0xFFFFFFFF;
	p2 =	slt.u32 s8, $0xFFFFF086  }
0x1c: {  	p1 =	slt.u32 s9, $0xF7A;
	s5 =	simm.s32 @!p2 $0x0  }
0x1d: {  	s5 =	simm.s32 @p1 $0x1;
	p0 =	seq.s32 s7, s2  }
0x1e: {  	s7 =	smul.u32 @!p0 $0xF7A, s2;
	p2 =	seq.s32 @!p0 s5, $0x0  }
0x1f: {  	s9 =	smul.u32 $0xF7A, s1;
	s8 =	simm.s32 @!p0 $0x1BF5;
	p2 =	por !p2, p0  }
0x20: {  	[sflag:s8] =	ssyncset.s32 @!p0 $0xFFFFF086;
	s6 =	sadd.s32 @!p0 s3, s7;
	s7 =	simm.s32 @!p0 $0x108  }
0x21: {  	s3 =	sadd.s32 s3, s9;
	s6 =	sadd.s32 @!p0 $0x88, s6;
	s7 =	simm.s32 @p2 $0x1082  }
0x22: {  	[simem:s7], [sflag:s8] =	dma.local @!p0 [hbm:s6], $0xF7A  }
0x23: {  	s9 =	sor.u32 $0xD0000000, s2;
	s6 =	simm.s32 $0x108;
	_ =	swait.ge @!p0 [sflag:s8], $0x0  }
0x24: {  	s3 =	sadd.s32 $0x88, s3;
	s6 =	simm.s32 @!p1 $0x1082;
	[sflag:s4] =	ssyncset.s32 $0xFFFFF086  }
0x25: {  	[simem:s6], [sflag:s4] =	dma.local [hbm:s3], $0xF7A  }
0x26: {  	[smem:$0x3F9B] =	sst s1;
	(tag) =	ssettag s2;
	_ =	strace s9  }
0x27: {  	s1 =	sld [smem:$0x3FAB]  }
0x28: {  	s2 =	sld [smem:$0x3FAC]  }
0x29: {  	s4 =	sld [smem:$0x3FAE]  }
0x2a: {  	p0 =	seq.s32 s5, $0x0;
	s5 =	sld [smem:$0x3FAF]  }
0x2b: {  	s6 =	sld [smem:$0x3FB0]  }
0x2c: {  	s7 =	sld [smem:$0x3FB1]  }
0x2d: {  	s3 =	simm.s32 $0x108;
	s8 =	sld [smem:$0x3FB2]  }
0x2e: {  	s3 =	simm.s32 @!p0 $0x1082;
	s9 =	sld [smem:$0x3FB3]  }
0x2f: {  	lr =	sadd.s32 s0, s3;
	s0 =	sld [smem:$0x3FAA]  }
0x30: {  	s3 =	sld [smem:$0x3FAD]  }
0x31: {  	[smem:$0x3FB6] =	sst s10  }
0x32: {  	s10 =	sld [smem:$0x3FB4];
	_ =	sdelay $0x3  }
0x33: {  	p0 =	seq.s32 s10, $0x1;
	s10 =	sld [smem:$0x3FB6];
	_ =	sdelay $0x3  }
0x34: {  	[smem:$0x3FB6] =	sst s10  }
0x35: {  	s10 =	sld [smem:$0x3FB5];
	_ =	sdelay $0x3  }
0x36: {  	p1 =	seq.s32 s10, $0x1;
	s10 =	sld [smem:$0x3FB6];
	_ =	sdelay $0x3  }
0x37: {  	[smem:$0x3FB6] =	sst s10  }
0x38: {  	s10 =	sld [smem:$0x3FB7]  }
0x39: {  	_ = 	snop;
	(pc) =	sbr.ind lr, $3  }
0x3a: {  	_ = 	snop  }
0x3b: {  	_ = 	snop  }
0x3c: {  	p2 =	seq.s32 s10, $0x1;
	s10 =	sld [smem:$0x3FB6]  }
0x3d: {  	_ =	shalt  }
0x3e: {  	_ =	shalt  }
0x3f: {  	_ =	shalt  }
0x40: {  	_ =	shalt  }
0x41: {  	_ =	shalt  }
0x42: {  	_ =	shalt  }
0x43: {  	_ =	shalt  }
0x44: {  	_ =	shalt  }
0x45: {  	_ =	shalt  }
0x46: {  	_ =	shalt  }
0x47: {  	_ =	shalt  }
0x48: {  	_ =	shalt  }
0x49: {  	_ =	shalt  }
0x4a: {  	_ =	shalt  }
0x4b: {  	_ =	shalt  }
0x4c: {  	_ =	shalt  }
0x4d: {  	_ =	shalt  }
0x4e: {  	_ =	shalt  }
0x4f: {  	_ =	shalt  }
0x50: {  	_ =	shalt  }
0x51: {  	_ =	shalt  }
0x52: {  	_ =	shalt  }
0x53: {  	_ =	shalt  }
0x54: {  	_ =	shalt  }
0x55: {  	_ =	shalt  }
0x56: {  	_ =	shalt  }
0x57: {  	_ =	shalt  }
0x58: {  	_ =	shalt  }
0x59: {  	_ =	shalt  }
0x5a: {  	_ =	shalt  }
0x5b: {  	_ =	shalt  }
0x5c: {  	_ =	shalt  }
0x5d: {  	_ =	shalt  }
0x5e: {  	_ =	shalt  }
0x5f: {  	_ =	shalt  }
0x60: {  	_ =	shalt  }
0x61: {  	_ =	shalt  }
0x62: {  	_ =	shalt  }
0x63: {  	_ =	shalt  }
0x64: {  	_ =	shalt  }
0x65: {  	_ =	shalt  }
0x66: {  	_ =	shalt  }
0x67: {  	_ =	shalt  }
0x68: {  	_ =	shalt  }
0x69: {  	_ =	shalt  }
0x6a: {  	_ =	shalt  }
0x6b: {  	_ =	shalt  }
0x6c: {  	_ =	shalt  }
0x6d: {  	_ =	shalt  }
0x6e: {  	_ =	shalt  }
0x6f: {  	_ =	shalt  }
0x70: {  	_ =	shalt  }
0x71: {  	_ =	shalt  }
0x72: {  	_ =	shalt  }
0x73: {  	_ =	shalt  }
0x74: {  	_ =	shalt  }
0x75: {  	_ =	shalt  }
0x76: {  	_ =	shalt  }
0x77: {  	_ =	shalt  }
0x78: {  	_ =	shalt  }
0x79: {  	_ =	shalt  }
0x7a: {  	_ =	shalt  }
0x7b: {  	_ =	shalt  }
0x7c: {  	_ =	shalt  }
0x7d: {  	_ =	shalt  }
0x7e: {  	_ =	shalt  }
0x7f: {  	_ =	shalt  }
0x80: {  	_ =	shalt  }
0x81: {  	_ =	shalt  }
0x82: {  	_ =	shalt  }
0x83: {  	_ =	shalt  }
0x84: {  	_ =	shalt  }
0x85: {  	_ =	shalt  }
0x86: {  	_ =	shalt  }
0x87: {  	_ =	shalt  }
.Lfunc_end0:
.L_simem_size_0:
called_computation.1_lowered:
.L_overlay_start_0:
0x88: {  	s2 =	sld [smem:$0x3FD9]  }
0x89: {  	s3 =	sld [smem:$0x3FFE];
	_ =	sdelay $0x1  }
0x8a: {  	s1 =	srdreg.scid  }
0x8b: {  	s0 =	sand.u32 $0x1, s1  }
0x8c: {  	s16 =	sshll.u32 s0, $0xA;
	s2 =	sadd.s32 s3, s2  }
0x8d: {  	s2 =	sadd.s32 s2, s16  }
0x8e: {  	[smem:$0x3FC2] =	sst s2  }
0x8f: {  	_ = 	snop  }
0x90: {  	(tm) =	ssettm $0x1  }
0x91: {  	s17 =	sld [smem:$0x3FFB];
	_ =	sdelay $0x3  }
0x92: {  	_ =	strace s17  }
0x93: {  	s2 =	sld [smem:$0x3FFC];
	_ =	sdelay $0x3  }
0x94: {  	_ =	strace s2  }
0x95: {  	s2 =	sld [smem:$0x3FFD];
	_ =	sdelay $0x3  }
0x96: {  	_ =	strace s2  }
0x97: {  	_ =	strace $0x8FFFFFFF  }
0x98: {  	s18 =	sld [smem:$0x3FDB];
	_ =	sdelay $0x1  }
0x99: {  	s19 =	simm.s32 $_scs_section_size  }
0x9a: {  	s4 =	simm.s32 $_size__tile_overlayer_lowered;
	s5 =	simm.s32 $_tile_overlayer_lowered  }
0x9b: {  	s22 =	simm.s32 $0x1BFF;
	s21 =	sshll.u32 s5, $0x1;
	s2 =	sadd.s32 s19, s18  }
0x9c: {  	s6 =	simm.s32 $0x0;
	s20 =	sshll.u32 s4, $0x1;
	s4 =	sadd.s32 s21, s2  }
0x9d: {  	[timem:s6], [sflag:s22] =	dma.local [hbm:s4], s20  }
0x9e: {  	_ =	swait.ge [sflag:s22], s20  }
0x9f: {  	s3 =	ssub.s32 $0x0, s20;
	[sflag:s22] =	ssyncset.done $0x0  }
0xa0: {  	[sflag:s22] =	ssyncadd.s32 s3;
	_ =	sdelay $0x1  }
0xa1: {  	s23 =	simm.s32 $0x1B8B  }
0xa2: {  	_ =	swait.ge [sflag:s23], $0x1  }
0xa3: {  	[sflag:s23] =	ssyncset.done $0x0  }
0xa4: {  	s25 =	simm.s32 $0x1B8E;
	s24 =	sld [smem:$0x3FFE];
	[sflag:s23] =	ssyncadd.s32 $0xFFFFFFFF  }
0xa5: {  	s26 =	simm.s32 $execute0_lowered;
	[smem:$0x3FD2] =	sst s25  }
0xa6: {  	s4 =	sshll.u32 s26, $0x1;
	_ =	strace $0x80000049;
	[dreg:$0x1] =	wrdreg $0xFFFFFFFF  }
0xa7: {  	s28 =	simm.s32 $_size_execute0_lowered;
	s2 =	sadd.s32 s2, s4;
	[dreg:$0x0] =	wrdreg $0x0  }
0xa8: {  	s4 =	sshll.u32 s28, $0x1;
	[dreg:$0x2] =	wrdreg s2  }
0xa9: {  	[dreg:$0x3] =	wrdreg s4  }
0xaa: {  	[dreg:$0x4] =	wrdreg $0xC0  }
0xab: {  	_ =	task [dreg:s6], $0x5FFFF  }
0xac: {  	[dreg:$0x1] =	wrdreg $0xFFFFFFFF  }
0xad: {  	[dreg:$0x0] =	wrdreg $0x60  }
0xae: {  	[dreg:$0x2] =	wrdreg s24  }
0xaf: {  	[dreg:$0x3] =	wrdreg $0x76200  }
0xb0: {  	[dreg:$0x4] =	wrdreg $0x9  }
0xb1: {  	_ =	task.clear_ibuf [dreg:s6], $0x5FFFF;
	_ =	strace $0x90000049  }
0xb2: {  	s29 =	simm.s32 $0x9;
	_ =	strace $0x8000004B  }
0xb3: {  	_ =	swait.ge [sflag:s29], $0x1  }
0xb4: {  	[sflag:s29] =	ssyncadd.s32 $0xFFFFFFFF  }
0xb5: {  	_ =	strace $0x9000004B  }
0xb6: {  	_ =	sfence  }
0xb7: {  	s30 =	sld [smem:$0x0];
	_ =	sdelay $0x2  }
0xb8: {  	s31 =	sshll.u32 s1, $0xD;
	s1 =	sshrl.u32 s1, $0x2  }
0xb9: {  	s3 =	sand.u32 $0x4000, s31;
	s1 =	sadd.s32 s1, s30  }
0xba: {  	s0 =	sor.u32 s3, s0;
	s1 =	sshll.u32 s1, $0x11  }
0xbb: {  	s0 =	sor.u32 s1, s0  }
0xbc: {  	s0 =	sadd.s32 $0x8F2B, s0  }
0xbd: {  	[sflag:s0] =	ssyncadd.remote.s32 $0x1  }
0xbe: {  	_ =	sfence.sel $0xFFFF  }
0xbf: {  	[dreg:$0x0] =	wrdreg $0xFFFFFFFF;
	(pc) =	sbr.abs _section_cstart, $3  }
0xc0: {  	[dreg:$0x1] =	wrdreg $0xFFFFFFFF  }
0xc1: {  	_ =	task.clear_ibuf [dreg:s6], $0x2FFFF;
	_ =	strace $0x9FFFFFFF  }
0xc2: {  	(tm) =	ssettm $0x7FFFFFFF  }
0xc3: {  	_ =	shalt  }
tec
execute0_lowered:
.L_overlay_start_1:
0x0: {  	(tag) =	ssettag $0x1  }
0x1: {  	s0 =	srdreg.scid;
	s6 =	rddreg [dreg:$0x0]  }
0x2: {  	s2 =	rddreg [dreg:$0x1];
	s3 =	simm.s32 $0x0;
	s14 =	simm.s32 $0x50  }
0x3: {  	s15 =	simm.s32 $0x4E20;
	s5 =	sand.u32 $0x1, s0;
	s0 =	stileid.u32  }
0x4: {  	s16 =	simm.s32 $0x0;
	[smem:$0x7FF] =	sst s3;
	s8 =	smul.u32 $0x14000, s0  }
0x5: {  	s4 =	sadd.s32 $0x65E00, s6;
	s1 =	sshll.u32 s5, $0x4;
	s9 =	smul.u32 $0x140000, s5  }
0x6: {  	s5 =	ssub.s32 $0x2, s5;
	s31 =	sshll.u32 s0, $0x6;
	s1 =	sor.u32 s0, s1  }
0x7: {  	s30 =	sshrl.u32 s5, $0x1;
	s7 =	smul.u32 $0x4E2, s1;
	s1 =	rddreg [dreg:$0x2]  }
0x8: {  	_ =	strace $0x8000004A;
	s28 =	sadd.s32 s8, s9;
	s29 =	sshrl.u32 s8, $0x3  }
0x9: {  	s12 =	ssub.s32 s5, s30;
	s13 =	sadd.s32 s8, s2;
	s9 =	sadd.s32 s29, s6  }
0xa: {  	s10 =	sadd.s32 s7, s6;
	s7 =	sshrl.u32 s28, $0x3;
	s5 =	sadd.s32 $0x8D000, s9  }
0xb: {  	s11 =	sadd.s32 s7, s6;
	s6 =	sor.u32 $0x1C01, s31;
	s7 =	sadd.s32 $0x2200, s10  }
0xc: {  	s8 =	sadd.s32 $0xC000, s10;
	s10 =	smax.u32 s12, $0x1;
	s12 =	simm.s32 $0x1  }
0xd: {  	s9 =	sadd.s32 $0xB5000, s11;
	s11 =	sshrl.u32 s13, $0x3;
	s13 =	simm.s32 $0x2710  }
.LBB2_1:
0xe: {  	[spmem:s11], [sflag:s6] =	dma.local [hbm:s5], $0x2800  }
0xf: {  	_ =	swait.ge [sflag:s12], $0x2800  }
0x10: {  	[sflag:s12] =	ssyncset.done $0x0  }
0x11: {  	[sflag:s12] =	ssyncadd.s32 $0xFFFFD800  }
0x12: {  	[tilespmem:s3], [sflag:$0x1] =	stream.linear.gather [hbm4b:s7+s3], $0x2710, $0x38;
	[tilespmem:$0x1B620] =	vst v63  }
0x13: {  	_ =	swait.ge [sflag:s12], $0x2710  }
0x14: {  	[sflag:s12] =	ssyncset.done $0x0  }
0x15: {  	[sflag:s12] =	ssyncadd.s32 $0xFFFFD8F0  }
0x16: {  	[tilespmem:s13], [sflag:$0x1] =	stream.linear.gather [hbm4b:s8+s3], $0x2710, $0x38;
	[tilespmem:$0x1B620] =	vst v63  }
0x17: {  	_ =	swait.ge [sflag:s12], $0x2710  }
0x18: {  	[sflag:s12] =	ssyncset.done $0x0  }
0x19: {  	[sflag:s12] =	ssyncadd.s32 $0xFFFFD8F0  }
0x1a: {  	s17 =	simm.s32 $0x0;
	[bflag:$0x0] =	sbarrier.arrive $0xFFFF  }
0x1b: {  	[tilespmem:s15], [sflag:$0x1] =	stream.indirect.gather [hbm4b:s4+s14], $0x80, s17, s14, $0xb8;
	[tilespmem:$0x1B620] =	vst v63  }
0x1c: {  	_ =	swait.ge [sflag:s12], $0x2800  }
0x1d: {  	[sflag:s12] =	ssyncset.done $0x0  }
0x1e: {  	s31 =	simm.s32 $0x2710;
	[sflag:s12] =	ssyncadd.s32 $0xFFFFD800  }
0x1f: {  	[spmem:s2] =	stream.indirect.scatter.add.f32 [tilespmem:s15], [sflag:$0x1], $0x80, s31, s14, $0xb8;
	[tilespmem:$0x1B620] =	vst v63  }
0x20: {  	_ =	swait.ge [sflag:s12], $0x2800  }
0x21: {  	s18 =	simm.s32 $0x280;
	s17 =	simm.s32 $0x140;
	[sflag:s12] =	ssyncset.done $0x0  }
.LBB2_2:
0x22: {  	s19 =	sshra.s32 s17, $0x2  }
0x23: {  	[sflag:s12] =	ssyncadd.s32 $0xFFFFD800;
	s17 =	smov.u32 s18;
	s20 =	sadd.s32 $0x140, s18  }
0x24: {  	[tilespmem:s15], [sflag:$0x1] =	stream.indirect.gather [hbm4b:s4+s14], $0x80, s19, s14, $0xb8;
	[tilespmem:$0x1B620] =	vst v63  }
0x25: {  	p0 =	sne.s32 s18, $0x9B00;
	_ =	swait.ge [sflag:s12], $0x2800  }
.Ltmp0:
0x26: {  	[sflag:s12] =	ssyncset.done $0x0;
	(pc) =	sbr.rel @p0 .LBB2_2-.Ltmp0, $4  }
0x27: {  	s18 =	sadd.s32 $0x2710, s19;
	[sflag:s12] =	ssyncadd.s32 $0xFFFFD800  }
0x28: {  	[spmem:s2] =	stream.indirect.scatter.add.f32 [tilespmem:s15], [sflag:$0x1], $0x80, s18, s14, $0xb8;
	[tilespmem:$0x1B620] =	vst v63  }
0x29: {  	_ =	swait.ge [sflag:s12], $0x2800  }
0x2a: {  	s18 =	smov.u32 s20;
	[sflag:s12] =	ssyncset.done $0x0  }
0x2b: {  	s17 =	sshra.s32 s17, $0x2;
	[sflag:s12] =	ssyncadd.s32 $0xFFFFD800  }
0x2c: {  	[tilespmem:s15], [sflag:$0x1] =	stream.indirect.gather [hbm4b:s4+s14], $0x80, s17, s14, $0xb8;
	[tilespmem:$0x1B620] =	vst v63  }
0x2d: {  	_ =	swait.ge [sflag:s12], $0x2800  }
0x2e: {  	[sflag:s12] =	ssyncset.done $0x0  }
0x2f: {  	s17 =	sadd.s32 $0x2710, s17;
	[sflag:s12] =	ssyncadd.s32 $0xFFFFD800  }
0x30: {  	[spmem:s2] =	stream.indirect.scatter.add.f32 [tilespmem:s15], [sflag:$0x1], $0x80, s17, s14, $0xb8;
	[tilespmem:$0x1B620] =	vst v63  }
0x31: {  	_ =	swait.ge [sflag:s12], $0x2800  }
0x32: {  	s16 =	sadd.s32 $0x1, s16;
	[sflag:s12] =	ssyncset.done $0x0  }
0x33: {  	p0 =	sne.s32 s16, s10;
	[sflag:s12] =	ssyncadd.s32 $0xFFFFD800  }
.Ltmp1:
0x34: {  	[bflag:$0x0] =	sbarrier.arrive $0xFFFF;
	(pc) =	sbr.rel @p0 .LBB2_1-.Ltmp1, $4  }
0x35: {  	[hbm:s9], [sflag:s6] =	dma.local [spmem:s11], $0x2800  }
0x36: {  	_ =	swait.ge [sflag:s12], $0x2800  }
0x37: {  	[sflag:s12] =	ssyncset.done $0x0  }
0x38: {  	[sflag:s12] =	ssyncadd.s32 $0xFFFFD800  }
0x39: {  	_ =	sfence.sel $0x180000  }
0x3a: {  	[bflag:$0x0] =	sbarrier.arrive $0xFFFF  }
0x3b: {  	p0 =	sne.s32 s0, $0x0;
	_ =	strace $0x9000004A  }
0x3c: {  	s0 =	sadd.s32 @!p0 $0x100000, s1;
	[bflag:$0x2] =	sbarrier.arrive $0xFFFF  }
0x3d: {  	[sflag:s0] =	ssyncadd.tile.s32 @!p0 $0x1;
	_ =	shalt  }
.Lfunc_end2:
_tile_overlayer_lowered:
.L_overlay_start_2:
0x3e: {  	(tag) =	ssettag $0x2  }
0x3f: {  	s0 =	rddreg [dreg:$0x0];
	s2 =	stileid.u32  }
0x40: {  	s1 =	rddreg [dreg:$0x1];
	p0 =	sne.s32 s2, $0x0  }
0x41: {  	s3 =	rddreg [dreg:$0x2];
	[bflag:$0x3] =	sbarrier.arrive $0xFFFF;
	s2 =	simm.s32 @!p0 $0x1C01  }
0x42: {  	[timem:s3], [sflag:s2] =	dma.local @!p0 [hbm:s0], s1  }
0x43: {  	s0 =	simm.s32 @!p0 $0x1  }
0x44: {  	_ =	swait.ge @!p0 [sflag:s0], s1  }
0x45: {  	s1 =	ssub.s32 @!p0 $0x0, s1;
	[sflag:s0] =	ssyncset.done @!p0 $0x0  }
0x46: {  	[sflag:s0] =	ssyncadd.s32 @!p0 s1  }
0x47: {  	[bflag:$0x3] =	sbarrier.arrive $0xFFFF  }
0x48: {  	_ =	shalt  }

// kernel: kernel.14.cloned.1.call-start
scs
__scs_entry_jumppad:
0x0: {  	(pc) =	sbr.rel $0x88, $3  }
0x1: {  	(tag) =	ssettag $0x0;
	lr =	simm.s32 $0x1  }
0x2: {  	[smem:$0x3F9B] =	sst lr;
	_ =	strace $0xD0000000  }
0x3: {  	_ = 	snop  }
0x4: {  	_ = 	snop  }
0x5: {  	_ = 	snop  }
0x6: {  	_ = 	snop  }
0x7: {  	_ = 	snop  }
__scs_overlays_trampoline_lowered:
0x8: {  	[smem:$0x3FAA] =	sst s0  }
0x9: {  	[smem:$0x3FAB] =	sst s1  }
0xa: {  	[smem:$0x3FAC] =	sst s2  }
0xb: {  	[smem:$0x3FAD] =	sst s3  }
0xc: {  	[smem:$0x3FAE] =	sst s4  }
0xd: {  	[smem:$0x3FAF] =	sst s5  }
0xe: {  	[smem:$0x3FB0] =	sst s6  }
0xf: {  	[smem:$0x3FB1] =	sst s7  }
0x10: {  	[smem:$0x3FB2] =	sst s8  }
0x11: {  	[smem:$0x3FB3] =	sst s9;
	s0 =	simm.s32 @!p0 $0x0  }
0x12: {  	s1 =	sld [smem:$0x3F99];
	s0 =	simm.s32 @p0 $0x1  }
0x13: {  	[smem:$0x3FB4] =	sst s0;
	s0 =	simm.s32 @!p1 $0x0  }
0x14: {  	s2 =	sld [smem:$0x3F98];
	s0 =	simm.s32 @p1 $0x1  }
0x15: {  	[smem:$0x3FB5] =	sst s0;
	s0 =	simm.s32 @!p2 $0x0  }
0x16: {  	s3 =	sld [smem:$0x3FDB];
	s0 =	simm.s32 @p2 $0x1  }
0x17: {  	s4 =	simm.s32 $0x1BF5;
	[smem:$0x3FB7] =	sst s0  }
0x18: {  	s0 =	sld [smem:$0x3F9A];
	_ =	swait.ge [sflag:s4], $0x0  }
0x19: {  	s7 =	sld [smem:$0x3F9B]  }
0x1a: {  	s8 =	sadd.s32 $0xFFFFE003, lr  }
0x1b: {  	s9 =	sadd.s32 $0xFFFFFEF7, lr;
	s5 =	simm.s32 $0xFFFFFFFF;
	p2 =	slt.u32 s8, $0xFFFFF086  }
0x1c: {  	p1 =	slt.u32 s9, $0xF7A;
	s5 =	simm.s32 @!p2 $0x0  }
0x1d: {  	s5 =	simm.s32 @p1 $0x1;
	p0 =	seq.s32 s7, s2  }
0x1e: {  	s7 =	smul.u32 @!p0 $0xF7A, s2;
	p2 =	seq.s32 @!p0 s5, $0x0  }
0x1f: {  	s9 =	smul.u32 $0xF7A, s1;
	s8 =	simm.s32 @!p0 $0x1BF5;
	p2 =	por !p2, p0  }
0x20: {  	[sflag:s8] =	ssyncset.s32 @!p0 $0xFFFFF086;
	s6 =	sadd.s32 @!p0 s3, s7;
	s7 =	simm.s32 @!p0 $0x108  }
0x21: {  	s3 =	sadd.s32 s3, s9;
	s6 =	sadd.s32 @!p0 $0x88, s6;
	s7 =	simm.s32 @p2 $0x1082  }
0x22: {  	[simem:s7], [sflag:s8] =	dma.local @!p0 [hbm:s6], $0xF7A  }
0x23: {  	s9 =	sor.u32 $0xD0000000, s2;
	s6 =	simm.s32 $0x108;
	_ =	swait.ge @!p0 [sflag:s8], $0x0  }
0x24: {  	s3 =	sadd.s32 $0x88, s3;
	s6 =	simm.s32 @!p1 $0x1082;
	[sflag:s4] =	ssyncset.s32 $0xFFFFF086  }
0x25: {  	[simem:s6], [sflag:s4] =	dma.local [hbm:s3], $0xF7A  }
0x26: {  	[smem:$0x3F9B] =	sst s1;
	(tag) =	ssettag s2;
	_ =	strace s9  }
0x27: {  	s1 =	sld [smem:$0x3FAB]  }
0x28: {  	s2 =	sld [smem:$0x3FAC]  }
0x29: {  	s4 =	sld [smem:$0x3FAE]  }
0x2a: {  	p0 =	seq.s32 s5, $0x0;
	s5 =	sld [smem:$0x3FAF]  }
0x2b: {  	s6 =	sld [smem:$0x3FB0]  }
0x2c: {  	s7 =	sld [smem:$0x3FB1]  }
0x2d: {  	s3 =	simm.s32 $0x108;
	s8 =	sld [smem:$0x3FB2]  }
0x2e: {  	s3 =	simm.s32 @!p0 $0x1082;
	s9 =	sld [smem:$0x3FB3]  }
0x2f: {  	lr =	sadd.s32 s0, s3;
	s0 =	sld [smem:$0x3FAA]  }
0x30: {  	s3 =	sld [smem:$0x3FAD]  }
0x31: {  	[smem:$0x3FB6] =	sst s10  }
0x32: {  	s10 =	sld [smem:$0x3FB4];
	_ =	sdelay $0x3  }
0x33: {  	p0 =	seq.s32 s10, $0x1;
	s10 =	sld [smem:$0x3FB6];
	_ =	sdelay $0x3  }
0x34: {  	[smem:$0x3FB6] =	sst s10  }
0x35: {  	s10 =	sld [smem:$0x3FB5];
	_ =	sdelay $0x3  }
0x36: {  	p1 =	seq.s32 s10, $0x1;
	s10 =	sld [smem:$0x3FB6];
	_ =	sdelay $0x3  }
0x37: {  	[smem:$0x3FB6] =	sst s10  }
0x38: {  	s10 =	sld [smem:$0x3FB7]  }
0x39: {  	_ = 	snop;
	(pc) =	sbr.ind lr, $3  }
0x3a: {  	_ = 	snop  }
0x3b: {  	_ = 	snop  }
0x3c: {  	p2 =	seq.s32 s10, $0x1;
	s10 =	sld [smem:$0x3FB6]  }
0x3d: {  	_ =	shalt  }
0x3e: {  	_ =	shalt  }
0x3f: {  	_ =	shalt  }
0x40: {  	_ =	shalt  }
0x41: {  	_ =	shalt  }
0x42: {  	_ =	shalt  }
0x43: {  	_ =	shalt  }
0x44: {  	_ =	shalt  }
0x45: {  	_ =	shalt  }
0x46: {  	_ =	shalt  }
0x47: {  	_ =	shalt  }
0x48: {  	_ =	shalt  }
0x49: {  	_ =	shalt  }
0x4a: {  	_ =	shalt  }
0x4b: {  	_ =	shalt  }
0x4c: {  	_ =	shalt  }
0x4d: {  	_ =	shalt  }
0x4e: {  	_ =	shalt  }
0x4f: {  	_ =	shalt  }
0x50: {  	_ =	shalt  }
0x51: {  	_ =	shalt  }
0x52: {  	_ =	shalt  }
0x53: {  	_ =	shalt  }
0x54: {  	_ =	shalt  }
0x55: {  	_ =	shalt  }
0x56: {  	_ =	shalt  }
0x57: {  	_ =	shalt  }
0x58: {  	_ =	shalt  }
0x59: {  	_ =	shalt  }
0x5a: {  	_ =	shalt  }
0x5b: {  	_ =	shalt  }
0x5c: {  	_ =	shalt  }
0x5d: {  	_ =	shalt  }
0x5e: {  	_ =	shalt  }
0x5f: {  	_ =	shalt  }
0x60: {  	_ =	shalt  }
0x61: {  	_ =	shalt  }
0x62: {  	_ =	shalt  }
0x63: {  	_ =	shalt  }
0x64: {  	_ =	shalt  }
0x65: {  	_ =	shalt  }
0x66: {  	_ =	shalt  }
0x67: {  	_ =	shalt  }
0x68: {  	_ =	shalt  }
0x69: {  	_ =	shalt  }
0x6a: {  	_ =	shalt  }
0x6b: {  	_ =	shalt  }
0x6c: {  	_ =	shalt  }
0x6d: {  	_ =	shalt  }
0x6e: {  	_ =	shalt  }
0x6f: {  	_ =	shalt  }
0x70: {  	_ =	shalt  }
0x71: {  	_ =	shalt  }
0x72: {  	_ =	shalt  }
0x73: {  	_ =	shalt  }
0x74: {  	_ =	shalt  }
0x75: {  	_ =	shalt  }
0x76: {  	_ =	shalt  }
0x77: {  	_ =	shalt  }
0x78: {  	_ =	shalt  }
0x79: {  	_ =	shalt  }
0x7a: {  	_ =	shalt  }
0x7b: {  	_ =	shalt  }
0x7c: {  	_ =	shalt  }
0x7d: {  	_ =	shalt  }
0x7e: {  	_ =	shalt  }
0x7f: {  	_ =	shalt  }
0x80: {  	_ =	shalt  }
0x81: {  	_ =	shalt  }
0x82: {  	_ =	shalt  }
0x83: {  	_ =	shalt  }
0x84: {  	_ =	shalt  }
0x85: {  	_ =	shalt  }
0x86: {  	_ =	shalt  }
0x87: {  	_ =	shalt  }
.Lfunc_end0:
.L_simem_size_0:
called_computation.2_lowered:
.L_overlay_start_0:
0x88: {  	s2 =	sld [smem:$0x3FD9]  }
0x89: {  	s3 =	sld [smem:$0x3FFE];
	_ =	sdelay $0x1  }
0x8a: {  	s1 =	srdreg.scid  }
0x8b: {  	s0 =	sand.u32 $0x1, s1  }
0x8c: {  	s17 =	sshll.u32 s0, $0xA;
	s2 =	sadd.s32 s3, s2  }
0x8d: {  	s2 =	sadd.s32 s2, s17  }
0x8e: {  	[smem:$0x3FC2] =	sst s2  }
0x8f: {  	_ = 	snop  }
0x90: {  	s2 =	sld [smem:$0x3FD0];
	(tm) =	ssettm $0x1  }
0x91: {  	s18 =	sld [smem:$0x3FFB];
	_ =	sdelay $0x3  }
0x92: {  	_ =	strace s18  }
0x93: {  	s3 =	sld [smem:$0x3FFC];
	_ =	sdelay $0x3  }
0x94: {  	_ =	strace s3  }
0x95: {  	s3 =	sld [smem:$0x3FFD];
	_ =	sdelay $0x3  }
0x96: {  	_ =	strace s3  }
0x97: {  	_ =	strace $0x8FFFFFFF  }
0x98: {  	s19 =	sld [smem:$0x3FDB];
	_ =	sdelay $0x1  }
0x99: {  	s4 =	simm.s32 $_scs_section_size  }
0x9a: {  	s5 =	simm.s32 $_size__tile_overlayer_lowered;
	s6 =	simm.s32 $_tile_overlayer_lowered  }
0x9b: {  	s22 =	simm.s32 $0x1BFF;
	s21 =	sshll.u32 s6, $0x1;
	s3 =	sadd.s32 s4, s19  }
0x9c: {  	s7 =	simm.s32 $0x0;
	s20 =	sshll.u32 s5, $0x1;
	s5 =	sadd.s32 s21, s3  }
0x9d: {  	[timem:s7], [sflag:s22] =	dma.local [hbm:s5], s20  }
0x9e: {  	_ =	swait.ge [sflag:s22], s20  }
0x9f: {  	s4 =	ssub.s32 $0x0, s20;
	[sflag:s22] =	ssyncset.done $0x0  }
0xa0: {  	[sflag:s22] =	ssyncadd.s32 s4;
	_ =	sdelay $0x1  }
0xa1: {  	s23 =	simm.s32 $0x1B8B  }
0xa2: {  	_ =	swait.ge [sflag:s23], $0x1  }
0xa3: {  	[sflag:s23] =	ssyncset.done $0x0  }
0xa4: {  	s25 =	simm.s32 $0x1B8E;
	s24 =	sld [smem:$0x3FFE];
	[sflag:s23] =	ssyncadd.s32 $0xFFFFFFFF  }
0xa5: {  	s26 =	simm.s32 $execute0_lowered;
	[smem:$0x3FD2] =	sst s25  }
0xa6: {  	s5 =	sshll.u32 s26, $0x1;
	_ =	strace $0x8000004C;
	[dreg:$0x1] =	wrdreg $0xFFFFFFFF  }
0xa7: {  	s28 =	simm.s32 $_size_execute0_lowered;
	s3 =	sadd.s32 s3, s5;
	[dreg:$0x0] =	wrdreg $0x0  }
0xa8: {  	s5 =	sshll.u32 s28, $0x1;
	[dreg:$0x2] =	wrdreg s3  }
0xa9: {  	[dreg:$0x3] =	wrdreg s5  }
0xaa: {  	[dreg:$0x4] =	wrdreg $0xC0  }
0xab: {  	_ =	task [dreg:s7], $0x5FFFF  }
0xac: {  	[dreg:$0x1] =	wrdreg $0xFFFFFFFF  }
0xad: {  	[dreg:$0x0] =	wrdreg $0x60  }
0xae: {  	[dreg:$0x2] =	wrdreg s2  }
0xaf: {  	[dreg:$0x3] =	wrdreg s24  }
0xb0: {  	[dreg:$0x4] =	wrdreg $0x62200  }
0xb1: {  	[dreg:$0x5] =	wrdreg $0x9  }
0xb2: {  	_ =	task.clear_ibuf [dreg:s7], $0x6FFFF;
	_ =	strace $0x9000004C  }
0xb3: {  	s29 =	simm.s32 $0x9;
	_ =	strace $0x8000004E  }
0xb4: {  	_ =	swait.ge [sflag:s29], $0x1  }
0xb5: {  	[sflag:s29] =	ssyncadd.s32 $0xFFFFFFFF  }
0xb6: {  	_ =	strace $0x9000004E  }
0xb7: {  	_ =	sfence  }
0xb8: {  	s30 =	sld [smem:$0x0];
	_ =	sdelay $0x2  }
0xb9: {  	s31 =	sshll.u32 s1, $0xD;
	s1 =	sshrl.u32 s1, $0x2  }
0xba: {  	s3 =	sand.u32 $0x4000, s31;
	s1 =	sadd.s32 s1, s30  }
0xbb: {  	s0 =	sor.u32 s3, s0;
	s1 =	sshll.u32 s1, $0x11  }
0xbc: {  	s0 =	sor.u32 s1, s0  }
0xbd: {  	s0 =	sadd.s32 $0x8F2B, s0  }
0xbe: {  	[sflag:s0] =	ssyncadd.remote.s32 $0x1  }
0xbf: {  	_ =	sfence.sel $0xFFFF  }
0xc0: {  	[dreg:$0x0] =	wrdreg $0xFFFFFFFF;
	(pc) =	sbr.abs _section_cstart, $3  }
0xc1: {  	[dreg:$0x1] =	wrdreg $0xFFFFFFFF  }
0xc2: {  	_ =	task.clear_ibuf [dreg:s7], $0x2FFFF;
	_ =	strace $0x9FFFFFFF  }
0xc3: {  	(tm) =	ssettm $0x7FFFFFFF  }
tec
execute0_lowered:
.L_overlay_start_1:
0x0: {  	(tag) =	ssettag $0x1  }
0x1: {  	s2 =	rddreg [dreg:$0x0]  }
0x2: {  	s6 =	rddreg [dreg:$0x1]  }
0x3: {  	s0 =	srdreg.scid;
	s3 =	rddreg [dreg:$0x2];
	s4 =	simm.s32 $0x0  }
0x4: {  	s14 =	simm.s32 $0x50;
	s5 =	sand.u32 $0x1, s0;
	s0 =	stileid.u32  }
0x5: {  	s15 =	simm.s32 $0x4E20;
	s16 =	simm.s32 $0x0;
	s8 =	smul.u32 $0xA000, s0  }
0x6: {  	[smem:$0x7FF] =	sst s4;
	s1 =	sshll.u32 s5, $0x4;
	s9 =	smul.u32 $0xA0000, s5  }
0x7: {  	s5 =	ssub.s32 $0x2, s5;
	s31 =	sshll.u32 s0, $0x6;
	s1 =	sor.u32 s0, s1  }
0x8: {  	s30 =	sshrl.u32 s5, $0x1;
	s7 =	smul.u32 $0x4E2, s1;
	s1 =	rddreg [dreg:$0x3]  }
0x9: {  	_ =	strace $0x8000004D;
	s28 =	sadd.s32 s8, s9;
	s29 =	sshrl.u32 s8, $0x3  }
0xa: {  	s12 =	ssub.s32 s5, s30;
	s13 =	sadd.s32 s8, s3;
	s9 =	sadd.s32 s29, s6  }
0xb: {  	s10 =	sadd.s32 s7, s6;
	s7 =	sshrl.u32 s28, $0x3;
	s5 =	sadd.s32 $0x65E00, s9  }
0xc: {  	s11 =	sadd.s32 s7, s6;
	s6 =	sor.u32 $0x1C01, s31;
	s7 =	sadd.s32 $0x2200, s10  }
0xd: {  	s8 =	sadd.s32 $0xC000, s10;
	s10 =	smax.u32 s12, $0x1;
	s12 =	simm.s32 $0x1  }
0xe: {  	s9 =	sadd.s32 $0x79E00, s11;
	s11 =	sshrl.u32 s13, $0x3;
	s13 =	simm.s32 $0x2710  }
.LBB2_1:
0xf: {  	[spmem:s11], [sflag:s6] =	dma.local [hbm:s5], $0x1400  }
0x10: {  	_ =	swait.ge [sflag:s12], $0x1400  }
0x11: {  	[sflag:s12] =	ssyncset.done $0x0  }
0x12: {  	[sflag:s12] =	ssyncadd.s32 $0xFFFFEC00  }
0x13: {  	[tilespmem:s4], [sflag:$0x1] =	stream.linear.gather [hbm4b:s7+s4], $0x2710, $0x38;
	[tilespmem:$0x10220] =	vst v63  }
0x14: {  	_ =	swait.ge [sflag:s12], $0x2710  }
0x15: {  	[sflag:s12] =	ssyncset.done $0x0  }
0x16: {  	[sflag:s12] =	ssyncadd.s32 $0xFFFFD8F0  }
0x17: {  	[tilespmem:s13], [sflag:$0x1] =	stream.linear.gather [hbm4b:s8+s4], $0x2710, $0x38;
	[tilespmem:$0x10220] =	vst v63  }
0x18: {  	_ =	swait.ge [sflag:s12], $0x2710  }
0x19: {  	[sflag:s12] =	ssyncset.done $0x0  }
0x1a: {  	[sflag:s12] =	ssyncadd.s32 $0xFFFFD8F0  }
0x1b: {  	s17 =	simm.s32 $0x0;
	[bflag:$0x0] =	sbarrier.arrive $0xFFFF  }
0x1c: {  	[tilespmem:s15], [sflag:$0x1] =	stream.indirect.gather [hbm4b:s2+s14], $0x40, s17, s14, $0xb8;
	[tilespmem:$0x10220] =	vst v63  }
0x1d: {  	_ =	swait.ge [sflag:s12], $0x1400  }
0x1e: {  	[sflag:s12] =	ssyncset.done $0x0  }
0x1f: {  	s31 =	simm.s32 $0x2710;
	[sflag:s12] =	ssyncadd.s32 $0xFFFFEC00  }
0x20: {  	[spmem:s3] =	stream.indirect.scatter.add.f32 [tilespmem:s15], [sflag:$0x1], $0x40, s31, s14, $0xb8;
	[tilespmem:$0x10220] =	vst v63  }
0x21: {  	_ =	swait.ge [sflag:s12], $0x1400  }
0x22: {  	s18 =	simm.s32 $0x280;
	s17 =	simm.s32 $0x140;
	[sflag:s12] =	ssyncset.done $0x0  }
.LBB2_2:
0x23: {  	s19 =	sshra.s32 s17, $0x2  }
0x24: {  	[sflag:s12] =	ssyncadd.s32 $0xFFFFEC00;
	s17 =	smov.u32 s18;
	s20 =	sadd.s32 $0x140, s18  }
0x25: {  	[tilespmem:s15], [sflag:$0x1] =	stream.indirect.gather [hbm4b:s2+s14], $0x40, s19, s14, $0xb8;
	[tilespmem:$0x10220] =	vst v63  }
0x26: {  	p0 =	sne.s32 s18, $0x9B00;
	_ =	swait.ge [sflag:s12], $0x1400  }
.Ltmp0:
0x27: {  	[sflag:s12] =	ssyncset.done $0x0;
	(pc) =	sbr.rel @p0 .LBB2_2-.Ltmp0, $4  }
0x28: {  	s18 =	sadd.s32 $0x2710, s19;
	[sflag:s12] =	ssyncadd.s32 $0xFFFFEC00  }
0x29: {  	[spmem:s3] =	stream.indirect.scatter.add.f32 [tilespmem:s15], [sflag:$0x1], $0x40, s18, s14, $0xb8;
	[tilespmem:$0x10220] =	vst v63  }
0x2a: {  	_ =	swait.ge [sflag:s12], $0x1400  }
0x2b: {  	s18 =	smov.u32 s20;
	[sflag:s12] =	ssyncset.done $0x0  }
0x2c: {  	s17 =	sshra.s32 s17, $0x2;
	[sflag:s12] =	ssyncadd.s32 $0xFFFFEC00  }
0x2d: {  	[tilespmem:s15], [sflag:$0x1] =	stream.indirect.gather [hbm4b:s2+s14], $0x40, s17, s14, $0xb8;
	[tilespmem:$0x10220] =	vst v63  }
0x2e: {  	_ =	swait.ge [sflag:s12], $0x1400  }
0x2f: {  	[sflag:s12] =	ssyncset.done $0x0  }
0x30: {  	s17 =	sadd.s32 $0x2710, s17;
	[sflag:s12] =	ssyncadd.s32 $0xFFFFEC00  }
0x31: {  	[spmem:s3] =	stream.indirect.scatter.add.f32 [tilespmem:s15], [sflag:$0x1], $0x40, s17, s14, $0xb8;
	[tilespmem:$0x10220] =	vst v63  }
0x32: {  	_ =	swait.ge [sflag:s12], $0x1400  }
0x33: {  	s16 =	sadd.s32 $0x1, s16;
	[sflag:s12] =	ssyncset.done $0x0  }
0x34: {  	p0 =	sne.s32 s16, s10;
	[sflag:s12] =	ssyncadd.s32 $0xFFFFEC00  }
.Ltmp1:
0x35: {  	[bflag:$0x0] =	sbarrier.arrive $0xFFFF;
	(pc) =	sbr.rel @p0 .LBB2_1-.Ltmp1, $4  }
0x36: {  	[hbm:s9], [sflag:s6] =	dma.local [spmem:s11], $0x1400  }
0x37: {  	_ =	swait.ge [sflag:s12], $0x1400  }
0x38: {  	[sflag:s12] =	ssyncset.done $0x0  }
0x39: {  	[sflag:s12] =	ssyncadd.s32 $0xFFFFEC00  }
0x3a: {  	_ =	sfence.sel $0x180000  }
0x3b: {  	[bflag:$0x0] =	sbarrier.arrive $0xFFFF  }
0x3c: {  	p0 =	sne.s32 s0, $0x0;
	_ =	strace $0x9000004D  }
0x3d: {  	s0 =	sadd.s32 @!p0 $0x100000, s1;
	[bflag:$0x2] =	sbarrier.arrive $0xFFFF  }
0x3e: {  	[sflag:s0] =	ssyncadd.tile.s32 @!p0 $0x1;
	_ =	shalt  }
.Lfunc_end2:
_tile_overlayer_lowered:
.L_overlay_start_2:
0x3f: {  	(tag) =	ssettag $0x2  }
0x40: {  	s0 =	rddreg [dreg:$0x0];
	s2 =	stileid.u32  }
0x41: {  	s1 =	rddreg [dreg:$0x1];
	p0 =	sne.s32 s2, $0x0  }
0x42: {  	s3 =	rddreg [dreg:$0x2];
	[bflag:$0x3] =	sbarrier.arrive $0xFFFF;
	s2 =	simm.s32 @!p0 $0x1C01  }
0x43: {  	[timem:s3], [sflag:s2] =	dma.local @!p0 [hbm:s0], s1  }
0x44: {  	s0 =	simm.s32 @!p0 $0x1  }
0x45: {  	_ =	swait.ge @!p0 [sflag:s0], s1  }
0x46: {  	s1 =	ssub.s32 @!p0 $0x0, s1;
	[sflag:s0] =	ssyncset.done @!p0 $0x0  }
0x47: {  	[sflag:s0] =	ssyncadd.s32 @!p0 s1  }
0x48: {  	[bflag:$0x3] =	sbarrier.arrive $0xFFFF  }
0x49: {  	_ =	shalt  }

// kernel: kernel.8.cloned.1.call-start
scs
__scs_entry_jumppad:
0x0: {  	(pc) =	sbr.rel $0x88, $3  }
0x1: {  	(tag) =	ssettag $0x0;
	lr =	simm.s32 $0x1  }
0x2: {  	[smem:$0x3F9B] =	sst lr;
	_ =	strace $0xD0000000  }
0x3: {  	_ = 	snop  }
0x4: {  	_ = 	snop  }
0x5: {  	_ = 	snop  }
0x6: {  	_ = 	snop  }
0x7: {  	_ = 	snop  }
__scs_overlays_trampoline_lowered:
0x8: {  	[smem:$0x3FAA] =	sst s0  }
0x9: {  	[smem:$0x3FAB] =	sst s1  }
0xa: {  	[smem:$0x3FAC] =	sst s2  }
0xb: {  	[smem:$0x3FAD] =	sst s3  }
0xc: {  	[smem:$0x3FAE] =	sst s4  }
0xd: {  	[smem:$0x3FAF] =	sst s5  }
0xe: {  	[smem:$0x3FB0] =	sst s6  }
0xf: {  	[smem:$0x3FB1] =	sst s7  }
0x10: {  	[smem:$0x3FB2] =	sst s8  }
0x11: {  	[smem:$0x3FB3] =	sst s9;
	s0 =	simm.s32 @!p0 $0x0  }
0x12: {  	s1 =	sld [smem:$0x3F99];
	s0 =	simm.s32 @p0 $0x1  }
0x13: {  	[smem:$0x3FB4] =	sst s0;
	s0 =	simm.s32 @!p1 $0x0  }
0x14: {  	s2 =	sld [smem:$0x3F98];
	s0 =	simm.s32 @p1 $0x1  }
0x15: {  	[smem:$0x3FB5] =	sst s0;
	s0 =	simm.s32 @!p2 $0x0  }
0x16: {  	s3 =	sld [smem:$0x3FDB];
	s0 =	simm.s32 @p2 $0x1  }
0x17: {  	s4 =	simm.s32 $0x1BF5;
	[smem:$0x3FB7] =	sst s0  }
0x18: {  	s0 =	sld [smem:$0x3F9A];
	_ =	swait.ge [sflag:s4], $0x0  }
0x19: {  	s7 =	sld [smem:$0x3F9B]  }
0x1a: {  	s8 =	sadd.s32 $0xFFFFE003, lr  }
0x1b: {  	s9 =	sadd.s32 $0xFFFFFEF7, lr;
	s5 =	simm.s32 $0xFFFFFFFF;
	p2 =	slt.u32 s8, $0xFFFFF086  }
0x1c: {  	p1 =	slt.u32 s9, $0xF7A;
	s5 =	simm.s32 @!p2 $0x0  }
0x1d: {  	s5 =	simm.s32 @p1 $0x1;
	p0 =	seq.s32 s7, s2  }
0x1e: {  	s7 =	smul.u32 @!p0 $0xF7A, s2;
	p2 =	seq.s32 @!p0 s5, $0x0  }
0x1f: {  	s9 =	smul.u32 $0xF7A, s1;
	s8 =	simm.s32 @!p0 $0x1BF5;
	p2 =	por !p2, p0  }
0x20: {  	[sflag:s8] =	ssyncset.s32 @!p0 $0xFFFFF086;
	s6 =	sadd.s32 @!p0 s3, s7;
	s7 =	simm.s32 @!p0 $0x108  }
0x21: {  	s3 =	sadd.s32 s3, s9;
	s6 =	sadd.s32 @!p0 $0x88, s6;
	s7 =	simm.s32 @p2 $0x1082  }
0x22: {  	[simem:s7], [sflag:s8] =	dma.local @!p0 [hbm:s6], $0xF7A  }
0x23: {  	s9 =	sor.u32 $0xD0000000, s2;
	s6 =	simm.s32 $0x108;
	_ =	swait.ge @!p0 [sflag:s8], $0x0  }
0x24: {  	s3 =	sadd.s32 $0x88, s3;
	s6 =	simm.s32 @!p1 $0x1082;
	[sflag:s4] =	ssyncset.s32 $0xFFFFF086  }
0x25: {  	[simem:s6], [sflag:s4] =	dma.local [hbm:s3], $0xF7A  }
0x26: {  	[smem:$0x3F9B] =	sst s1;
	(tag) =	ssettag s2;
	_ =	strace s9  }
0x27: {  	s1 =	sld [smem:$0x3FAB]  }
0x28: {  	s2 =	sld [smem:$0x3FAC]  }
0x29: {  	s4 =	sld [smem:$0x3FAE]  }
0x2a: {  	p0 =	seq.s32 s5, $0x0;
	s5 =	sld [smem:$0x3FAF]  }
0x2b: {  	s6 =	sld [smem:$0x3FB0]  }
0x2c: {  	s7 =	sld [smem:$0x3FB1]  }
0x2d: {  	s3 =	simm.s32 $0x108;
	s8 =	sld [smem:$0x3FB2]  }
0x2e: {  	s3 =	simm.s32 @!p0 $0x1082;
	s9 =	sld [smem:$0x3FB3]  }
0x2f: {  	lr =	sadd.s32 s0, s3;
	s0 =	sld [smem:$0x3FAA]  }
0x30: {  	s3 =	sld [smem:$0x3FAD]  }
0x31: {  	[smem:$0x3FB6] =	sst s10  }
0x32: {  	s10 =	sld [smem:$0x3FB4];
	_ =	sdelay $0x3  }
0x33: {  	p0 =	seq.s32 s10, $0x1;
	s10 =	sld [smem:$0x3FB6];
	_ =	sdelay $0x3  }
0x34: {  	[smem:$0x3FB6] =	sst s10  }
0x35: {  	s10 =	sld [smem:$0x3FB5];
	_ =	sdelay $0x3  }
0x36: {  	p1 =	seq.s32 s10, $0x1;
	s10 =	sld [smem:$0x3FB6];
	_ =	sdelay $0x3  }
0x37: {  	[smem:$0x3FB6] =	sst s10  }
0x38: {  	s10 =	sld [smem:$0x3FB7]  }
0x39: {  	_ = 	snop;
	(pc) =	sbr.ind lr, $3  }
0x3a: {  	_ = 	snop  }
0x3b: {  	_ = 	snop  }
0x3c: {  	p2 =	seq.s32 s10, $0x1;
	s10 =	sld [smem:$0x3FB6]  }
0x3d: {  	_ =	shalt  }
0x3e: {  	_ =	shalt  }
0x3f: {  	_ =	shalt  }
0x40: {  	_ =	shalt  }
0x41: {  	_ =	shalt  }
0x42: {  	_ =	shalt  }
0x43: {  	_ =	shalt  }
0x44: {  	_ =	shalt  }
0x45: {  	_ =	shalt  }
0x46: {  	_ =	shalt  }
0x47: {  	_ =	shalt  }
0x48: {  	_ =	shalt  }
0x49: {  	_ =	shalt  }
0x4a: {  	_ =	shalt  }
0x4b: {  	_ =	shalt  }
0x4c: {  	_ =	shalt  }
0x4d: {  	_ =	shalt  }
0x4e: {  	_ =	shalt  }
0x4f: {  	_ =	shalt  }
0x50: {  	_ =	shalt  }
0x51: {  	_ =	shalt  }
0x52: {  	_ =	shalt  }
0x53: {  	_ =	shalt  }
0x54: {  	_ =	shalt  }
0x55: {  	_ =	shalt  }
0x56: {  	_ =	shalt  }
0x57: {  	_ =	shalt  }
0x58: {  	_ =	shalt  }
0x59: {  	_ =	shalt  }
0x5a: {  	_ =	shalt  }
0x5b: {  	_ =	shalt  }
0x5c: {  	_ =	shalt  }
0x5d: {  	_ =	shalt  }
0x5e: {  	_ =	shalt  }
0x5f: {  	_ =	shalt  }
0x60: {  	_ =	shalt  }
0x61: {  	_ =	shalt  }
0x62: {  	_ =	shalt  }
0x63: {  	_ =	shalt  }
0x64: {  	_ =	shalt  }
0x65: {  	_ =	shalt  }
0x66: {  	_ =	shalt  }
0x67: {  	_ =	shalt  }
0x68: {  	_ =	shalt  }
0x69: {  	_ =	shalt  }
0x6a: {  	_ =	shalt  }
0x6b: {  	_ =	shalt  }
0x6c: {  	_ =	shalt  }
0x6d: {  	_ =	shalt  }
0x6e: {  	_ =	shalt  }
0x6f: {  	_ =	shalt  }
0x70: {  	_ =	shalt  }
0x71: {  	_ =	shalt  }
0x72: {  	_ =	shalt  }
0x73: {  	_ =	shalt  }
0x74: {  	_ =	shalt  }
0x75: {  	_ =	shalt  }
0x76: {  	_ =	shalt  }
0x77: {  	_ =	shalt  }
0x78: {  	_ =	shalt  }
0x79: {  	_ =	shalt  }
0x7a: {  	_ =	shalt  }
0x7b: {  	_ =	shalt  }
0x7c: {  	_ =	shalt  }
0x7d: {  	_ =	shalt  }
0x7e: {  	_ =	shalt  }
0x7f: {  	_ =	shalt  }
0x80: {  	_ =	shalt  }
0x81: {  	_ =	shalt  }
0x82: {  	_ =	shalt  }
0x83: {  	_ =	shalt  }
0x84: {  	_ =	shalt  }
0x85: {  	_ =	shalt  }
0x86: {  	_ =	shalt  }
0x87: {  	_ =	shalt  }
.Lfunc_end0:
.L_simem_size_0:
called_computation_lowered:
.L_overlay_start_0:
0x88: {  	s2 =	sld [smem:$0x3FD9]  }
0x89: {  	s3 =	sld [smem:$0x3FFE];
	_ =	sdelay $0x1  }
0x8a: {  	s1 =	srdreg.scid  }
0x8b: {  	s0 =	sand.u32 $0x1, s1  }
0x8c: {  	s17 =	sshll.u32 s0, $0xA;
	s2 =	sadd.s32 s3, s2  }
0x8d: {  	s2 =	sadd.s32 s2, s17  }
0x8e: {  	[smem:$0x3FC2] =	sst s2  }
0x8f: {  	_ = 	snop  }
0x90: {  	s2 =	sld [smem:$0x3FD0];
	(tm) =	ssettm $0x1  }
0x91: {  	s18 =	sld [smem:$0x3FFB];
	_ =	sdelay $0x3  }
0x92: {  	_ =	strace s18  }
0x93: {  	s3 =	sld [smem:$0x3FFC];
	_ =	sdelay $0x3  }
0x94: {  	_ =	strace s3  }
0x95: {  	s3 =	sld [smem:$0x3FFD];
	_ =	sdelay $0x3  }
0x96: {  	_ =	strace s3  }
0x97: {  	_ =	strace $0x8FFFFFFF  }
0x98: {  	s19 =	sld [smem:$0x3FDB];
	_ =	sdelay $0x1  }
0x99: {  	s4 =	simm.s32 $_scs_section_size  }
0x9a: {  	s5 =	simm.s32 $_size__tile_overlayer_lowered;
	s6 =	simm.s32 $_tile_overlayer_lowered  }
0x9b: {  	s22 =	simm.s32 $0x1BFF;
	s21 =	sshll.u32 s6, $0x1;
	s3 =	sadd.s32 s4, s19  }
0x9c: {  	s7 =	simm.s32 $0x0;
	s20 =	sshll.u32 s5, $0x1;
	s5 =	sadd.s32 s21, s3  }
0x9d: {  	[timem:s7], [sflag:s22] =	dma.local [hbm:s5], s20  }
0x9e: {  	_ =	swait.ge [sflag:s22], s20  }
0x9f: {  	s4 =	ssub.s32 $0x0, s20;
	[sflag:s22] =	ssyncset.done $0x0  }
0xa0: {  	[sflag:s22] =	ssyncadd.s32 s4;
	_ =	sdelay $0x1  }
0xa1: {  	s23 =	simm.s32 $0x1B8B  }
0xa2: {  	_ =	swait.ge [sflag:s23], $0x1  }
0xa3: {  	[sflag:s23] =	ssyncset.done $0x0  }
0xa4: {  	s25 =	simm.s32 $0x1B8E;
	s24 =	sld [smem:$0x3FFE];
	[sflag:s23] =	ssyncadd.s32 $0xFFFFFFFF  }
0xa5: {  	s26 =	simm.s32 $execute0_lowered;
	[smem:$0x3FD2] =	sst s25  }
0xa6: {  	s5 =	sshll.u32 s26, $0x1;
	_ =	strace $0x80000046;
	[dreg:$0x1] =	wrdreg $0xFFFFFFFF  }
0xa7: {  	s28 =	simm.s32 $_size_execute0_lowered;
	s3 =	sadd.s32 s3, s5;
	[dreg:$0x0] =	wrdreg $0x0  }
0xa8: {  	s5 =	sshll.u32 s28, $0x1;
	[dreg:$0x2] =	wrdreg s3  }
0xa9: {  	[dreg:$0x3] =	wrdreg s5  }
0xaa: {  	[dreg:$0x4] =	wrdreg $0xC0  }
0xab: {  	_ =	task [dreg:s7], $0x5FFFF  }
0xac: {  	[dreg:$0x1] =	wrdreg $0xFFFFFFFF  }
0xad: {  	[dreg:$0x0] =	wrdreg $0x60  }
0xae: {  	[dreg:$0x2] =	wrdreg s24  }
0xaf: {  	[dreg:$0x3] =	wrdreg s2  }
0xb0: {  	[dreg:$0x4] =	wrdreg $0x2C100  }
0xb1: {  	[dreg:$0x5] =	wrdreg $0x9  }
0xb2: {  	_ =	task.clear_ibuf [dreg:s7], $0x6FFFF;
	_ =	strace $0x90000046  }
0xb3: {  	s29 =	simm.s32 $0x9;
	_ =	strace $0x80000048  }
0xb4: {  	_ =	swait.ge [sflag:s29], $0x1  }
0xb5: {  	[sflag:s29] =	ssyncadd.s32 $0xFFFFFFFF  }
0xb6: {  	_ =	strace $0x90000048  }
0xb7: {  	_ =	sfence  }
0xb8: {  	s30 =	sld [smem:$0x0];
	_ =	sdelay $0x2  }
0xb9: {  	s31 =	sshll.u32 s1, $0xD;
	s1 =	sshrl.u32 s1, $0x2  }
0xba: {  	s3 =	sand.u32 $0x4000, s31;
	s1 =	sadd.s32 s1, s30  }
0xbb: {  	s0 =	sor.u32 s3, s0;
	s1 =	sshll.u32 s1, $0x11  }
0xbc: {  	s0 =	sor.u32 s1, s0  }
0xbd: {  	s0 =	sadd.s32 $0x8F2B, s0  }
0xbe: {  	[sflag:s0] =	ssyncadd.remote.s32 $0x1  }
0xbf: {  	_ =	sfence.sel $0xFFFF  }
0xc0: {  	[dreg:$0x0] =	wrdreg $0xFFFFFFFF;
	(pc) =	sbr.abs _section_cstart, $3  }
0xc1: {  	[dreg:$0x1] =	wrdreg $0xFFFFFFFF  }
0xc2: {  	_ =	task.clear_ibuf [dreg:s7], $0x2FFFF;
	_ =	strace $0x9FFFFFFF  }
0xc3: {  	(tm) =	ssettm $0x7FFFFFFF  }
tec
execute0_lowered:
.L_overlay_start_1:
0x0: {  	(tag) =	ssettag $0x1  }
0x1: {  	s5 =	rddreg [dreg:$0x0]  }
0x2: {  	s0 =	srdreg.scid;
	s8 =	rddreg [dreg:$0x1]  }
0x3: {  	s2 =	rddreg [dreg:$0x2];
	s3 =	simm.s32 $0x0;
	s13 =	simm.s32 $0x50  }
0x4: {  	s14 =	simm.s32 $0x0;
	s4 =	sand.u32 $0x1, s0;
	s0 =	stileid.u32  }
0x5: {  	[smem:$0x7FF] =	sst s3;
	s1 =	sshll.u32 s4, $0x4;
	s7 =	smul.u32 $0x2800, s0  }
0x6: {  	s10 =	ssub.s32 $0x2, s4;
	s11 =	smul.u32 $0x28000, s4;
	s4 =	sadd.s32 $0x1AE00, s5  }
0x7: {  	s31 =	sshll.u32 s0, $0x6;
	s6 =	sor.u32 s0, s1;
	s1 =	rddreg [dreg:$0x3]  }
0x8: {  	_ =	strace $0x80000047;
	s29 =	sshrl.u32 s10, $0x1;
	s6 =	smul.u32 $0x4E2, s6  }
0x9: {  	s28 =	sshrl.u32 s7, $0x3;
	s10 =	ssub.s32 s10, s29;
	s30 =	sadd.s32 s7, s11  }
0xa: {  	s12 =	sadd.s32 s7, s2;
	s11 =	sshrl.u32 s30, $0x3;
	s9 =	sadd.s32 s6, s5  }
0xb: {  	s5 =	sadd.s32 s28, s5;
	s6 =	sor.u32 $0x1C01, s31;
	s8 =	sadd.s32 s8, s11  }
0xc: {  	s11 =	simm.s32 $0x1;
	s5 =	sadd.s32 $0x15E00, s5;
	s7 =	sadd.s32 $0xC000, s9  }
0xd: {  	s9 =	smax.u32 s10, $0x1;
	s10 =	sshrl.u32 s12, $0x3;
	s12 =	simm.s32 $0x2710  }
.LBB2_1:
0xe: {  	[spmem:s10], [sflag:s6] =	dma.local [hbm:s5], $0x500  }
0xf: {  	_ =	swait.ge [sflag:s11], $0x500  }
0x10: {  	[sflag:s11] =	ssyncset.done $0x0  }
0x11: {  	[sflag:s11] =	ssyncadd.s32 $0xFFFFFB00  }
0x12: {  	[tilespmem:s3], [sflag:$0x1] =	stream.linear.gather [hbm4b:s7+s3], $0x2710, $0x38;
	[tilespmem:$0x5410] =	vst v63  }
0x13: {  	_ =	swait.ge [sflag:s11], $0x2710  }
0x14: {  	[sflag:s11] =	ssyncset.done $0x0  }
0x15: {  	[sflag:s11] =	ssyncadd.s32 $0xFFFFD8F0  }
0x16: {  	[tilespmem:s12], [sflag:$0x1] =	stream.linear.gather [hbm4b:s4+s3], $0x500, $0x38;
	[tilespmem:$0x5410] =	vst v63  }
0x17: {  	_ =	swait.ge [sflag:s11], $0x500  }
0x18: {  	[sflag:s11] =	ssyncset.done $0x0  }
0x19: {  	[sflag:s11] =	ssyncadd.s32 $0xFFFFFB00  }
0x1a: {  	s15 =	simm.s32 $0x0;
	[bflag:$0x0] =	sbarrier.arrive $0xFFFF  }
0x1b: {  	[spmem:s2] =	stream.indirect.scatter.add.f32 [tilespmem:s12], [sflag:$0x1], $0x10, s15, s13, $0xb8;
	[tilespmem:$0x5410] =	vst v63  }
0x1c: {  	_ =	swait.ge [sflag:s11], $0x500  }
0x1d: {  	s15 =	simm.s32 $0x140;
	[sflag:s11] =	ssyncset.done $0x0  }
.LBB2_2:
0x1e: {  	s16 =	sshra.s32 s15, $0x2;
	[sflag:s11] =	ssyncadd.s32 $0xFFFFFB00;
	p0 =	sne.s32 s15, $0x9B00  }
0x1f: {  	[spmem:s2] =	stream.indirect.scatter.add.f32 [tilespmem:s12], [sflag:$0x1], $0x10, s16, s13, $0xb8;
	[tilespmem:$0x5410] =	vst v63  }
.Ltmp0:
0x20: {  	_ = 	snop;
	(pc) =	sbr.rel @p0 .LBB2_2-.Ltmp0, $4  }
0x21: {  	_ = 	snop  }
0x22: {  	s15 =	sadd.s32 $0x140, s15  }
0x23: {  	_ =	swait.ge [sflag:s11], $0x500  }
0x24: {  	[sflag:s11] =	ssyncset.done $0x0  }
0x25: {  	s14 =	sadd.s32 $0x1, s14  }
0x26: {  	[sflag:s11] =	ssyncadd.s32 $0xFFFFFB00;
	p0 =	sne.s32 s14, s9  }
.Ltmp1:
0x27: {  	[bflag:$0x0] =	sbarrier.arrive $0xFFFF;
	(pc) =	sbr.rel @p0 .LBB2_1-.Ltmp1, $4  }
0x28: {  	[hbm:s8], [sflag:s6] =	dma.local [spmem:s10], $0x500  }
0x29: {  	_ =	swait.ge [sflag:s11], $0x500  }
0x2a: {  	[sflag:s11] =	ssyncset.done $0x0  }
0x2b: {  	[sflag:s11] =	ssyncadd.s32 $0xFFFFFB00  }
0x2c: {  	_ =	sfence.sel $0x180000  }
0x2d: {  	[bflag:$0x0] =	sbarrier.arrive $0xFFFF  }
0x2e: {  	p0 =	sne.s32 s0, $0x0;
	_ =	strace $0x90000047  }
0x2f: {  	s0 =	sadd.s32 @!p0 $0x100000, s1;
	[bflag:$0x2] =	sbarrier.arrive $0xFFFF  }
0x30: {  	[sflag:s0] =	ssyncadd.tile.s32 @!p0 $0x1;
	_ =	shalt  }
.Lfunc_end2:
_tile_overlayer_lowered:
.L_overlay_start_2:
0x31: {  	(tag) =	ssettag $0x2  }
0x32: {  	s0 =	rddreg [dreg:$0x0];
	s2 =	stileid.u32  }
0x33: {  	s1 =	rddreg [dreg:$0x1];
	p0 =	sne.s32 s2, $0x0  }
0x34: {  	s3 =	rddreg [dreg:$0x2];
	[bflag:$0x3] =	sbarrier.arrive $0xFFFF;
	s2 =	simm.s32 @!p0 $0x1C01  }
0x35: {  	[timem:s3], [sflag:s2] =	dma.local @!p0 [hbm:s0], s1  }
0x36: {  	s0 =	simm.s32 @!p0 $0x1  }
0x37: {  	_ =	swait.ge @!p0 [sflag:s0], s1  }
0x38: {  	s1 =	ssub.s32 @!p0 $0x0, s1;
	[sflag:s0] =	ssyncset.done @!p0 $0x0  }
0x39: {  	[sflag:s0] =	ssyncadd.s32 @!p0 s1  }
0x3a: {  	[bflag:$0x3] =	sbarrier.arrive $0xFFFF  }
0x3b: {  	_ =	shalt  }

</sc_bundles>
